<compile_context>
chip_gen: v7x
topology: tpu7x:2x2x1
jax: 0.10.2.dev20260603
libtpu: 0.0.44.dev20260713+nightly
codegen_flags: <defaults>
</compile_context>

<pallas_src>
import functools

import jax
import jax.numpy as jnp
import numpy as np
from jax import lax
from jax.experimental import pallas as pl
from jax.experimental.pallas import tpu as pltpu
from jax.experimental.pallas import tpu_sc as plsc

_IN_DIM = 8192
_OUT_DIM = 16384
_BATCH = 1024
_L = 16

_GATE_COEF = np.zeros((16, 16), np.float32)
_GATE_COEF[:, :4] = [
    [0, 0, 0, 0],
    [0, 0, 0, 1],
    [0, 1, 0, -1],
    [0, 1, 0, 0],
    [0, 0, 1, -1],
    [0, 0, 1, 0],
    [0, 1, 1, -2],
    [0, 1, 1, -1],
    [1, -1, -1, 1],
    [1, -1, -1, 2],
    [1, 0, -1, 0],
    [1, 0, -1, 1],
    [1, -1, 0, 0],
    [1, -1, 0, 1],
    [1, 0, 0, -1],
    [1, 0, 0, 0],
]


def _coef_body(l_ref, c_ref, w_ref):
    l = l_ref[...]
    m = jnp.max(l, axis=-1, keepdims=True)
    e = jnp.exp(l - m)
    p = e / jnp.sum(e, axis=-1, keepdims=True)
    w_ref[...] = lax.dot_general(
        p, c_ref[...], (((1,), (0,)), ((), ())),
        preferred_element_type=jnp.float32)


def _coefs(logits):
    return pl.pallas_call(
        _coef_body,
        out_shape=jax.ShapeDtypeStruct((_OUT_DIM, 16), jnp.float32),
    )(logits, jnp.asarray(_GATE_COEF))


_NW = 32
_GPW = _OUT_DIM // _NW
_G = 16
_NCHUNK = _GPW // _G
_LCHUNKS = _BATCH // _L


def _sc_body(xt_hbm, w_hbm, aidx_hbm, bidx_hbm, out_hbm,
             aidx_v, bidx_v, w_v, rows_a, rows_b, out_v, sem_a, sem_b):
    wid = lax.axis_index("s") * 2 + lax.axis_index("c")

    def chunk_body(i, carry):
        base = wid * _GPW + i * _G
        pltpu.sync_copy(aidx_hbm.at[pl.ds(base, _G)], aidx_v)
        pltpu.sync_copy(bidx_hbm.at[pl.ds(base, _G)], bidx_v)
        pltpu.sync_copy(w_hbm.at[pl.ds(base, _G)], w_v)
        ca = pltpu.async_copy(xt_hbm.at[aidx_v], rows_a, sem_a)
        cb = pltpu.async_copy(xt_hbm.at[bidx_v], rows_b, sem_b)
        ca.wait()
        cb.wait()
        for g in range(_G):
            wrow = w_v[g, pl.ds(0, _L)]
            w1 = wrow[0]
            wa = wrow[1]
            wb = wrow[2]
            wab = wrow[3]

            def lane_body(c, inner, g=g, w1=w1, wa=wa, wb=wb, wab=wab):
                a = rows_a[g, pl.ds(c * _L, _L)]
                b = rows_b[g, pl.ds(c * _L, _L)]
                out_v[g, pl.ds(c * _L, _L)] = w1 + wa * a + wb * b + wab * (a * b)
                return inner

            lax.fori_loop(0, _LCHUNKS, lane_body, 0)
        pltpu.sync_copy(out_v, out_hbm.at[pl.ds(base, _G)])
        return carry

    lax.fori_loop(0, _NCHUNK, chunk_body, 0)


_sc_call = functools.partial(
    pl.kernel,
    mesh=plsc.VectorSubcoreMesh(core_axis_name="c", subcore_axis_name="s"),
    out_type=jax.ShapeDtypeStruct((_OUT_DIM, _BATCH), jnp.float32),
    scratch_types=[
        pltpu.VMEM((_G,), jnp.int32),
        pltpu.VMEM((_G,), jnp.int32),
        pltpu.VMEM((_G, 16), jnp.float32),
        pltpu.VMEM((_G, _BATCH), jnp.float32),
        pltpu.VMEM((_G, _BATCH), jnp.float32),
        pltpu.VMEM((_G, _BATCH), jnp.float32),
        pltpu.SemaphoreType.DMA,
        pltpu.SemaphoreType.DMA,
    ],
)(_sc_body)


@jax.jit
def kernel(x, logits, a_idx, b_idx):
    xt = x.T
    w = _coefs(logits)
    yt = _sc_call(xt, w, a_idx, b_idx)
    return yt.T

# --- scband reference (transcript-rebuilt; emitter-appended) ---
"""Pipeline reference for scband-differentiable-logic-layer-12111807775264 (READ-ONLY COPY).

The authoritative reference and input builder live on the scoring server;
editing this copy changes nothing except your own understanding.
"""

import jax, jax.numpy as jnp
import numpy as np

IN_DIM = 8192
OUT_DIM = 16384
BATCH = 1024
RESIDUAL_GATE_ID = 3
RESIDUAL_Z = 5.0


def _all_16_gates(a, b):
    # a, b: (B, out_dim). Returns (B, out_dim, 16) stack of the 16 two-input
    # real-valued (probabilistic) logic gates, in the standard DiffLogic order.
    ab = a * b
    ones = jnp.ones_like(a)
    zeros = jnp.zeros_like(a)
    gates = [
        zeros,                      # 0: FALSE
        ab,                         # 1: a AND b
        a - ab,                     # 2: a AND NOT b
        a,                          # 3: a (pass-through, residual gate)
        b - ab,                     # 4: NOT a AND b
        b,                          # 5: b
        a + b - 2.0 * ab,           # 6: a XOR b
        a + b - ab,                 # 7: a OR b
        1.0 - (a + b - ab),         # 8: a NOR b
        1.0 - (a + b - 2.0 * ab),   # 9: a XNOR b
        1.0 - b,                    # 10: NOT b
        1.0 - b + ab,               # 11: a OR NOT b
        1.0 - a,                    # 12: NOT a
        1.0 - a + ab,               # 13: NOT a OR b
        1.0 - ab,                   # 14: a NAND b
        ones,                       # 15: TRUE
    ]
    return jnp.stack(gates, axis=-1)


def bin_op_s(a, b, gate_probs):
    # gate_probs: (1, out_dim, 16) broadcast over batch.
    gates = _all_16_gates(a, b)  # (B, out_dim, 16)
    return jnp.sum(gate_probs * gates, axis=-1)


def logits_to_gate_probs(logits, training=True):
    if training:
        return jax.nn.softmax(logits, axis=-1)
    # hard argmax discretization (eval mode)
    idx = jnp.argmax(logits, axis=-1)
    return jax.nn.one_hot(idx, 16, dtype=logits.dtype)


def setup_inputs(seed: int = 0) -> dict:
    key = jax.random.key(seed)
    k_x, k_a, k_b = jax.random.split(key, 3)
    x = jax.random.uniform(k_x, (BATCH, IN_DIM), dtype=jnp.float32)
    # Fixed random connectivity: each output gate selects 2 input indices.
    a_idx = jax.random.randint(k_a, (OUT_DIM,), 0, IN_DIM, dtype=jnp.int32)
    b_idx = jax.random.randint(k_b, (OUT_DIM,), 0, IN_DIM, dtype=jnp.int32)
    # residual_init=True: logits zero except residual gate (id 3) gets z=5.0
    logits = jnp.zeros((OUT_DIM, 16), dtype=jnp.float32)
    logits = logits.at[:, RESIDUAL_GATE_ID].set(RESIDUAL_Z)
    return {"x": x, "logits": logits, "a_idx": a_idx, "b_idx": b_idx}


def reference(x, logits, a_idx, b_idx):
    # gather the two inputs for each of the out_dim gates
    a = jnp.take(x, a_idx, axis=1)  # (B, out_dim)
    b = jnp.take(x, b_idx, axis=1)  # (B, out_dim)
    gate_probs = logits_to_gate_probs(logits, training=True)  # (out_dim, 16)
    gate_probs = gate_probs[None, :, :]  # (1, out_dim, 16)
    y = bin_op_s(a, b, gate_probs)  # (B, out_dim)
    return y

if __name__ == "__main__":
    import jax
    _d = setup_inputs()
    print(jax.jit(kernel)(*tuple(_d.values())))

</pallas_src>

<mosaic_0001>
#map = affine_map<(d0, d1) -> (0, 0)>
#map1 = affine_map<(d0, d1) -> (0)>
module attributes {stable_mosaic.version = 14 : i64} {
  func.func @_sc_body(%arg0: i32, %arg1: i32, %arg2: memref<8192x1024xf32, #tpu.memory_space<hbm>>, %arg3: memref<16384x16xf32, #tpu.memory_space<hbm>>, %arg4: memref<16384xi32, #tpu.memory_space<hbm>>, %arg5: memref<16384xi32, #tpu.memory_space<hbm>>, %arg6: memref<16384x1024xf32, #tpu.memory_space<hbm>>, %arg7: memref<16xi32, #tpu.memory_space<vmem>>, %arg8: memref<16xi32, #tpu.memory_space<vmem>>, %arg9: memref<16x16xf32, #tpu.memory_space<vmem>>, %arg10: memref<16x1024xf32, #tpu.memory_space<vmem>>, %arg11: memref<16x1024xf32, #tpu.memory_space<vmem>>, %arg12: memref<16x1024xf32, #tpu.memory_space<vmem>>, %arg13: memref<!tpu.dma_semaphore, #tpu.memory_space<semaphore_mem>>, %arg14: memref<!tpu.dma_semaphore, #tpu.memory_space<semaphore_mem>>) attributes {dimension_semantics = [#tpu.dimension_semantics<core_parallel>, #tpu.dimension_semantics<subcore_parallel>], iteration_bounds = array<i64: 2, 16>, scalar_prefetch = 0 : i64, scratch_operands = 8 : i64, tpu.core_type = #tpu.core_type<sc_vector_subcore>, window_params = [{transform_indices = #map}, {transform_indices = #map}, {transform_indices = #map1}, {transform_indices = #map1}, {transform_indices = #map}]} {
    %mul3A = arith.constant 2 : i32
    %mul3A_0 = arith.muli %arg1, %mul3A : i32
    %add3A = arith.addi %mul3A_0, %arg0 : i32
    %scan3A = arith.constant 0 : i32
    %scan3A_1 = arith.constant 0 : i32
    %scan3A_2 = arith.constant 32 : i32
    %scan3A_3 = arith.addi %scan3A_1, %scan3A_2 : i32
    %scan3A_4 = arith.constant 1 : i32
    scf.for %scan3A_6 = %scan3A_1 to %scan3A_3 step %scan3A_4  : i32 {
      %mul3A_7 = arith.constant 512 : i32
      %mul3A_8 = arith.muli %add3A, %mul3A_7 : i32
      %mul3A_9 = arith.constant 16 : i32
      %mul3A_10 = arith.muli %scan3A_6, %mul3A_9 : i32
      %add3A_11 = arith.addi %mul3A_8, %mul3A_10 : i32
      "tpu.region"() ({
        %run_scoped3A = tpu.sem_alloc : memref<!tpu.dma_semaphore, #tpu.memory_space<semaphore_mem>>
        %dma_start3A_323 = tpu.memref_slice %arg4[%add3A_11] : memref<16384xi32, #tpu.memory_space<hbm>> -> memref<16xi32, #tpu.memory_space<hbm>>
        %dma_start3A_324 = tpu.memref_slice %arg4[%add3A_11] : memref<16384xi32, #tpu.memory_space<hbm>> -> memref<16xi32, #tpu.memory_space<hbm>>
        tpu.enqueue_dma source(%dma_start3A_324 : memref<16xi32, #tpu.memory_space<hbm>>) target(%arg7 : memref<16xi32, #tpu.memory_space<vmem>>) target_semaphore(%run_scoped3A : memref<!tpu.dma_semaphore, #tpu.memory_space<semaphore_mem>>)
        %dma_wait3A_325 = tpu.memref_slice %arg4[%add3A_11] : memref<16384xi32, #tpu.memory_space<hbm>> -> memref<16xi32, #tpu.memory_space<hbm>>
        %dma_wait3A_326 = tpu.memref_slice %arg4[%add3A_11] : memref<16384xi32, #tpu.memory_space<hbm>> -> memref<16xi32, #tpu.memory_space<hbm>>
        tpu.wait_dma2 semaphore(%run_scoped3A : memref<!tpu.dma_semaphore, #tpu.memory_space<semaphore_mem>>) src(%dma_wait3A_326 : memref<16xi32, #tpu.memory_space<hbm>>) dst(%arg7 : memref<16xi32, #tpu.memory_space<vmem>>)
        tpu.yield
      }) : () -> ()
      "tpu.region"() ({
        %run_scoped3A = tpu.sem_alloc : memref<!tpu.dma_semaphore, #tpu.memory_space<semaphore_mem>>
        %dma_start3A_323 = tpu.memref_slice %arg5[%add3A_11] : memref<16384xi32, #tpu.memory_space<hbm>> -> memref<16xi32, #tpu.memory_space<hbm>>
        %dma_start3A_324 = tpu.memref_slice %arg5[%add3A_11] : memref<16384xi32, #tpu.memory_space<hbm>> -> memref<16xi32, #tpu.memory_space<hbm>>
        tpu.enqueue_dma source(%dma_start3A_324 : memref<16xi32, #tpu.memory_space<hbm>>) target(%arg8 : memref<16xi32, #tpu.memory_space<vmem>>) target_semaphore(%run_scoped3A : memref<!tpu.dma_semaphore, #tpu.memory_space<semaphore_mem>>)
        %dma_wait3A_325 = tpu.memref_slice %arg5[%add3A_11] : memref<16384xi32, #tpu.memory_space<hbm>> -> memref<16xi32, #tpu.memory_space<hbm>>
        %dma_wait3A_326 = tpu.memref_slice %arg5[%add3A_11] : memref<16384xi32, #tpu.memory_space<hbm>> -> memref<16xi32, #tpu.memory_space<hbm>>
        tpu.wait_dma2 semaphore(%run_scoped3A : memref<!tpu.dma_semaphore, #tpu.memory_space<semaphore_mem>>) src(%dma_wait3A_326 : memref<16xi32, #tpu.memory_space<hbm>>) dst(%arg8 : memref<16xi32, #tpu.memory_space<vmem>>)
        tpu.yield
      }) : () -> ()
      "tpu.region"() ({
        %run_scoped3A = tpu.sem_alloc : memref<!tpu.dma_semaphore, #tpu.memory_space<semaphore_mem>>
        %dma_start3A_323 = arith.constant 0 : i32
        %dma_start3A_324 = tpu.memref_slice %arg3[%add3A_11, %dma_start3A_323] : memref<16384x16xf32, #tpu.memory_space<hbm>> -> memref<16x16xf32, #tpu.memory_space<hbm>>
        %dma_start3A_325 = arith.constant 0 : i32
        %dma_start3A_326 = tpu.memref_slice %arg3[%add3A_11, %dma_start3A_325] : memref<16384x16xf32, #tpu.memory_space<hbm>> -> memref<16x16xf32, #tpu.memory_space<hbm>>
        tpu.enqueue_dma source(%dma_start3A_326 : memref<16x16xf32, #tpu.memory_space<hbm>>) target(%arg9 : memref<16x16xf32, #tpu.memory_space<vmem>>) target_semaphore(%run_scoped3A : memref<!tpu.dma_semaphore, #tpu.memory_space<semaphore_mem>>)
        %dma_wait3A_327 = arith.constant 0 : i32
        %dma_wait3A_328 = tpu.memref_slice %arg3[%add3A_11, %dma_wait3A_327] : memref<16384x16xf32, #tpu.memory_space<hbm>> -> memref<16x16xf32, #tpu.memory_space<hbm>>
        %dma_wait3A_329 = arith.constant 0 : i32
        %dma_wait3A_330 = tpu.memref_slice %arg3[%add3A_11, %dma_wait3A_329] : memref<16384x16xf32, #tpu.memory_space<hbm>> -> memref<16x16xf32, #tpu.memory_space<hbm>>
        tpu.wait_dma2 semaphore(%run_scoped3A : memref<!tpu.dma_semaphore, #tpu.memory_space<semaphore_mem>>) src(%dma_wait3A_330 : memref<16x16xf32, #tpu.memory_space<hbm>>) dst(%arg9 : memref<16x16xf32, #tpu.memory_space<vmem>>)
        tpu.yield
      }) : () -> ()
      %dma_start3A = arith.constant 0 : i32
      %dma_start3A_12 = arith.constant 0 : i32
      %dma_start3A_13 = tpu.memref_slice %arg2[%dma_start3A, %dma_start3A_12] : memref<8192x1024xf32, #tpu.memory_space<hbm>> -> memref<8192x1024xf32, #tpu.memory_space<hbm>>
      tpu.enqueue_indirect_dma source(%dma_start3A_13 : memref<8192x1024xf32, #tpu.memory_space<hbm>>) target(%arg10 : memref<16x1024xf32, #tpu.memory_space<vmem>>) offsets(%arg7 : memref<16xi32, #tpu.memory_space<vmem>>) semaphore(%arg13 : memref<!tpu.dma_semaphore, #tpu.memory_space<semaphore_mem>>)
      %dma_start3A_14 = arith.constant 0 : i32
      %dma_start3A_15 = arith.constant 0 : i32
      %dma_start3A_16 = tpu.memref_slice %arg2[%dma_start3A_14, %dma_start3A_15] : memref<8192x1024xf32, #tpu.memory_space<hbm>> -> memref<8192x1024xf32, #tpu.memory_space<hbm>>
      tpu.enqueue_indirect_dma source(%dma_start3A_16 : memref<8192x1024xf32, #tpu.memory_space<hbm>>) target(%arg11 : memref<16x1024xf32, #tpu.memory_space<vmem>>) offsets(%arg8 : memref<16xi32, #tpu.memory_space<vmem>>) semaphore(%arg14 : memref<!tpu.dma_semaphore, #tpu.memory_space<semaphore_mem>>)
      %dma_wait3A = arith.constant 0 : i32
      %dma_wait3A_17 = arith.constant 0 : i32
      %dma_wait3A_18 = tpu.memref_slice %arg2[%dma_wait3A, %dma_wait3A_17] : memref<8192x1024xf32, #tpu.memory_space<hbm>> -> memref<8192x1024xf32, #tpu.memory_space<hbm>>
      tpu.wait_indirect_dma semaphore(%arg13 : memref<!tpu.dma_semaphore, #tpu.memory_space<semaphore_mem>>) src(%dma_wait3A_18 : memref<8192x1024xf32, #tpu.memory_space<hbm>>) dst(%arg10 : memref<16x1024xf32, #tpu.memory_space<vmem>>)
      %dma_wait3A_19 = arith.constant 0 : i32
      %dma_wait3A_20 = arith.constant 0 : i32
      %dma_wait3A_21 = tpu.memref_slice %arg2[%dma_wait3A_19, %dma_wait3A_20] : memref<8192x1024xf32, #tpu.memory_space<hbm>> -> memref<8192x1024xf32, #tpu.memory_space<hbm>>
      tpu.wait_indirect_dma semaphore(%arg14 : memref<!tpu.dma_semaphore, #tpu.memory_space<semaphore_mem>>) src(%dma_wait3A_21 : memref<8192x1024xf32, #tpu.memory_space<hbm>>) dst(%arg11 : memref<16x1024xf32, #tpu.memory_space<vmem>>)
      %get3A = arith.constant 0 : i32
      %get3A_22 = arith.index_cast %get3A : i32 to index
      %get3A_23 = arith.constant 0 : index
      %get3A_24 = tpu.vector_load %arg9[%get3A_22, %get3A_23] {strides = array<i32>} : memref<16x16xf32, #tpu.memory_space<vmem>>, vector<1x16xf32>,
      %get3A_25 = vector.shape_cast %get3A_24 : vector<1x16xf32> to vector<16xf32>
      %slice3A = vector.extract_strided_slice %get3A_25 {offsets = [0], sizes = [1], strides = [1]} : vector<16xf32> to vector<1xf32>
      %squeeze3A = vector.extract %slice3A[0] : f32 from vector<1xf32>
      %slice3A_26 = vector.extract_strided_slice %get3A_25 {offsets = [1], sizes = [1], strides = [1]} : vector<16xf32> to vector<1xf32>
      %squeeze3A_27 = vector.extract %slice3A_26[0] : f32 from vector<1xf32>
      %slice3A_28 = vector.extract_strided_slice %get3A_25 {offsets = [2], sizes = [1], strides = [1]} : vector<16xf32> to vector<1xf32>
      %squeeze3A_29 = vector.extract %slice3A_28[0] : f32 from vector<1xf32>
      %slice3A_30 = vector.extract_strided_slice %get3A_25 {offsets = [3], sizes = [1], strides = [1]} : vector<16xf32> to vector<1xf32>
      %squeeze3A_31 = vector.extract %slice3A_30[0] : f32 from vector<1xf32>
      %scan3A_32 = arith.constant 0 : i32
      %scan3A_33 = arith.constant 0 : i32
      %scan3A_34 = arith.constant 64 : i32
      %scan3A_35 = arith.addi %scan3A_33, %scan3A_34 : i32
      %scan3A_36 = arith.constant 1 : i32
      scf.for %scan3A_323 = %scan3A_33 to %scan3A_35 step %scan3A_36  : i32 {
        %mul3A_324 = arith.constant 16 : i32
        %mul3A_325 = arith.muli %scan3A_323, %mul3A_324 : i32
        %get3A_326 = arith.constant 0 : i32
        %get3A_327 = arith.index_cast %get3A_326 : i32 to index
        %get3A_328 = arith.index_cast %mul3A_325 : i32 to index
        %get3A_329 = tpu.vector_load %arg10[%get3A_327, %get3A_328] {strides = array<i32>} : memref<16x1024xf32, #tpu.memory_space<vmem>>, vector<1x16xf32>,
        %get3A_330 = vector.shape_cast %get3A_329 : vector<1x16xf32> to vector<16xf32>
        %mul3A_331 = arith.constant 16 : i32
        %mul3A_332 = arith.muli %scan3A_323, %mul3A_331 : i32
        %get3A_333 = arith.constant 0 : i32
        %get3A_334 = arith.index_cast %get3A_333 : i32 to index
        %get3A_335 = arith.index_cast %mul3A_332 : i32 to index
        %get3A_336 = tpu.vector_load %arg11[%get3A_334, %get3A_335] {strides = array<i32>} : memref<16x1024xf32, #tpu.memory_space<vmem>>, vector<1x16xf32>,
        %get3A_337 = vector.shape_cast %get3A_336 : vector<1x16xf32> to vector<16xf32>
        %mul3A_338 = vector.broadcast %squeeze3A_27 : f32 to vector<16xf32>
        %mul3A_339 = arith.mulf %mul3A_338, %get3A_330 : vector<16xf32>
        %add3A_340 = vector.broadcast %squeeze3A : f32 to vector<16xf32>
        %add3A_341 = arith.addf %add3A_340, %mul3A_339 : vector<16xf32>
        %mul3A_342 = vector.broadcast %squeeze3A_29 : f32 to vector<16xf32>
        %mul3A_343 = arith.mulf %mul3A_342, %get3A_337 : vector<16xf32>
        %add3A_344 = arith.addf %add3A_341, %mul3A_343 : vector<16xf32>
        %mul3A_345 = arith.mulf %get3A_330, %get3A_337 : vector<16xf32>
        %mul3A_346 = vector.broadcast %squeeze3A_31 : f32 to vector<16xf32>
        %mul3A_347 = arith.mulf %mul3A_346, %mul3A_345 : vector<16xf32>
        %add3A_348 = arith.addf %add3A_344, %mul3A_347 : vector<16xf32>
        %mul3A_349 = arith.constant 16 : i32
        %mul3A_350 = arith.muli %scan3A_323, %mul3A_349 : i32
        %swap3A = arith.constant 0 : i32
        %swap3A_351 = arith.index_cast %swap3A : i32 to index
        %swap3A_352 = arith.index_cast %mul3A_350 : i32 to index
        %swap3A_353 = tpu.vector_load %arg12[%swap3A_351, %swap3A_352] {strides = array<i32>} : memref<16x1024xf32, #tpu.memory_space<vmem>>, vector<1x16xf32>,
        %swap3A_354 = vector.shape_cast %swap3A_353 : vector<1x16xf32> to vector<16xf32>
        %swap3A_355 = vector.shape_cast %add3A_348 : vector<16xf32> to vector<1x16xf32>
        tpu.vector_store %arg12[%swap3A_351, %swap3A_352], %swap3A_355 {strides = array<i32>} : memref<16x1024xf32, #tpu.memory_space<vmem>>, vector<1x16xf32>,
      }
      %scan3A_37 = arith.constant 64 : i32
      %get3A_38 = arith.constant 1 : i32
      %get3A_39 = arith.index_cast %get3A_38 : i32 to index
      %get3A_40 = arith.constant 0 : index
      %get3A_41 = tpu.vector_load %arg9[%get3A_39, %get3A_40] {strides = array<i32>} : memref<16x16xf32, #tpu.memory_space<vmem>>, vector<1x16xf32>,
      %get3A_42 = vector.shape_cast %get3A_41 : vector<1x16xf32> to vector<16xf32>
      %slice3A_43 = vector.extract_strided_slice %get3A_42 {offsets = [0], sizes = [1], strides = [1]} : vector<16xf32> to vector<1xf32>
      %squeeze3A_44 = vector.extract %slice3A_43[0] : f32 from vector<1xf32>
      %slice3A_45 = vector.extract_strided_slice %get3A_42 {offsets = [1], sizes = [1], strides = [1]} : vector<16xf32> to vector<1xf32>
      %squeeze3A_46 = vector.extract %slice3A_45[0] : f32 from vector<1xf32>
      %slice3A_47 = vector.extract_strided_slice %get3A_42 {offsets = [2], sizes = [1], strides = [1]} : vector<16xf32> to vector<1xf32>
      %squeeze3A_48 = vector.extract %slice3A_47[0] : f32 from vector<1xf32>
      %slice3A_49 = vector.extract_strided_slice %get3A_42 {offsets = [3], sizes = [1], strides = [1]} : vector<16xf32> to vector<1xf32>
      %squeeze3A_50 = vector.extract %slice3A_49[0] : f32 from vector<1xf32>
      %scan3A_51 = arith.constant 0 : i32
      %scan3A_52 = arith.constant 0 : i32
      %scan3A_53 = arith.constant 64 : i32
      %scan3A_54 = arith.addi %scan3A_52, %scan3A_53 : i32
      %scan3A_55 = arith.constant 1 : i32
      scf.for %scan3A_323 = %scan3A_52 to %scan3A_54 step %scan3A_55  : i32 {
        %mul3A_324 = arith.constant 16 : i32
        %mul3A_325 = arith.muli %scan3A_323, %mul3A_324 : i32
        %get3A_326 = arith.constant 1 : i32
        %get3A_327 = arith.index_cast %get3A_326 : i32 to index
        %get3A_328 = arith.index_cast %mul3A_325 : i32 to index
        %get3A_329 = tpu.vector_load %arg10[%get3A_327, %get3A_328] {strides = array<i32>} : memref<16x1024xf32, #tpu.memory_space<vmem>>, vector<1x16xf32>,
        %get3A_330 = vector.shape_cast %get3A_329 : vector<1x16xf32> to vector<16xf32>
        %mul3A_331 = arith.constant 16 : i32
        %mul3A_332 = arith.muli %scan3A_323, %mul3A_331 : i32
        %get3A_333 = arith.constant 1 : i32
        %get3A_334 = arith.index_cast %get3A_333 : i32 to index
        %get3A_335 = arith.index_cast %mul3A_332 : i32 to index
        %get3A_336 = tpu.vector_load %arg11[%get3A_334, %get3A_335] {strides = array<i32>} : memref<16x1024xf32, #tpu.memory_space<vmem>>, vector<1x16xf32>,
        %get3A_337 = vector.shape_cast %get3A_336 : vector<1x16xf32> to vector<16xf32>
        %mul3A_338 = vector.broadcast %squeeze3A_46 : f32 to vector<16xf32>
        %mul3A_339 = arith.mulf %mul3A_338, %get3A_330 : vector<16xf32>
        %add3A_340 = vector.broadcast %squeeze3A_44 : f32 to vector<16xf32>
        %add3A_341 = arith.addf %add3A_340, %mul3A_339 : vector<16xf32>
        %mul3A_342 = vector.broadcast %squeeze3A_48 : f32 to vector<16xf32>
        %mul3A_343 = arith.mulf %mul3A_342, %get3A_337 : vector<16xf32>
        %add3A_344 = arith.addf %add3A_341, %mul3A_343 : vector<16xf32>
        %mul3A_345 = arith.mulf %get3A_330, %get3A_337 : vector<16xf32>
        %mul3A_346 = vector.broadcast %squeeze3A_50 : f32 to vector<16xf32>
        %mul3A_347 = arith.mulf %mul3A_346, %mul3A_345 : vector<16xf32>
        %add3A_348 = arith.addf %add3A_344, %mul3A_347 : vector<16xf32>
        %mul3A_349 = arith.constant 16 : i32
        %mul3A_350 = arith.muli %scan3A_323, %mul3A_349 : i32
        %swap3A = arith.constant 1 : i32
        %swap3A_351 = arith.index_cast %swap3A : i32 to index
        %swap3A_352 = arith.index_cast %mul3A_350 : i32 to index
        %swap3A_353 = tpu.vector_load %arg12[%swap3A_351, %swap3A_352] {strides = array<i32>} : memref<16x1024xf32, #tpu.memory_space<vmem>>, vector<1x16xf32>,
        %swap3A_354 = vector.shape_cast %swap3A_353 : vector<1x16xf32> to vector<16xf32>
        %swap3A_355 = vector.shape_cast %add3A_348 : vector<16xf32> to vector<1x16xf32>
        tpu.vector_store %arg12[%swap3A_351, %swap3A_352], %swap3A_355 {strides = array<i32>} : memref<16x1024xf32, #tpu.memory_space<vmem>>, vector<1x16xf32>,
      }
      %scan3A_56 = arith.constant 64 : i32
      %get3A_57 = arith.constant 2 : i32
      %get3A_58 = arith.index_cast %get3A_57 : i32 to index
      %get3A_59 = arith.constant 0 : index
      %get3A_60 = tpu.vector_load %arg9[%get3A_58, %get3A_59] {strides = array<i32>} : memref<16x16xf32, #tpu.memory_space<vmem>>, vector<1x16xf32>,
      %get3A_61 = vector.shape_cast %get3A_60 : vector<1x16xf32> to vector<16xf32>
      %slice3A_62 = vector.extract_strided_slice %get3A_61 {offsets = [0], sizes = [1], strides = [1]} : vector<16xf32> to vector<1xf32>
      %squeeze3A_63 = vector.extract %slice3A_62[0] : f32 from vector<1xf32>
      %slice3A_64 = vector.extract_strided_slice %get3A_61 {offsets = [1], sizes = [1], strides = [1]} : vector<16xf32> to vector<1xf32>
      %squeeze3A_65 = vector.extract %slice3A_64[0] : f32 from vector<1xf32>
      %slice3A_66 = vector.extract_strided_slice %get3A_61 {offsets = [2], sizes = [1], strides = [1]} : vector<16xf32> to vector<1xf32>
      %squeeze3A_67 = vector.extract %slice3A_66[0] : f32 from vector<1xf32>
      %slice3A_68 = vector.extract_strided_slice %get3A_61 {offsets = [3], sizes = [1], strides = [1]} : vector<16xf32> to vector<1xf32>
      %squeeze3A_69 = vector.extract %slice3A_68[0] : f32 from vector<1xf32>
      %scan3A_70 = arith.constant 0 : i32
      %scan3A_71 = arith.constant 0 : i32
      %scan3A_72 = arith.constant 64 : i32
      %scan3A_73 = arith.addi %scan3A_71, %scan3A_72 : i32
      %scan3A_74 = arith.constant 1 : i32
      scf.for %scan3A_323 = %scan3A_71 to %scan3A_73 step %scan3A_74  : i32 {
        %mul3A_324 = arith.constant 16 : i32
        %mul3A_325 = arith.muli %scan3A_323, %mul3A_324 : i32
        %get3A_326 = arith.constant 2 : i32
        %get3A_327 = arith.index_cast %get3A_326 : i32 to index
        %get3A_328 = arith.index_cast %mul3A_325 : i32 to index
        %get3A_329 = tpu.vector_load %arg10[%get3A_327, %get3A_328] {strides = array<i32>} : memref<16x1024xf32, #tpu.memory_space<vmem>>, vector<1x16xf32>,
        %get3A_330 = vector.shape_cast %get3A_329 : vector<1x16xf32> to vector<16xf32>
        %mul3A_331 = arith.constant 16 : i32
        %mul3A_332 = arith.muli %scan3A_323, %mul3A_331 : i32
        %get3A_333 = arith.constant 2 : i32
        %get3A_334 = arith.index_cast %get3A_333 : i32 to index
        %get3A_335 = arith.index_cast %mul3A_332 : i32 to index
        %get3A_336 = tpu.vector_load %arg11[%get3A_334, %get3A_335] {strides = array<i32>} : memref<16x1024xf32, #tpu.memory_space<vmem>>, vector<1x16xf32>,
        %get3A_337 = vector.shape_cast %get3A_336 : vector<1x16xf32> to vector<16xf32>
        %mul3A_338 = vector.broadcast %squeeze3A_65 : f32 to vector<16xf32>
        %mul3A_339 = arith.mulf %mul3A_338, %get3A_330 : vector<16xf32>
        %add3A_340 = vector.broadcast %squeeze3A_63 : f32 to vector<16xf32>
        %add3A_341 = arith.addf %add3A_340, %mul3A_339 : vector<16xf32>
        %mul3A_342 = vector.broadcast %squeeze3A_67 : f32 to vector<16xf32>
        %mul3A_343 = arith.mulf %mul3A_342, %get3A_337 : vector<16xf32>
        %add3A_344 = arith.addf %add3A_341, %mul3A_343 : vector<16xf32>
        %mul3A_345 = arith.mulf %get3A_330, %get3A_337 : vector<16xf32>
        %mul3A_346 = vector.broadcast %squeeze3A_69 : f32 to vector<16xf32>
        %mul3A_347 = arith.mulf %mul3A_346, %mul3A_345 : vector<16xf32>
        %add3A_348 = arith.addf %add3A_344, %mul3A_347 : vector<16xf32>
        %mul3A_349 = arith.constant 16 : i32
        %mul3A_350 = arith.muli %scan3A_323, %mul3A_349 : i32
        %swap3A = arith.constant 2 : i32
        %swap3A_351 = arith.index_cast %swap3A : i32 to index
        %swap3A_352 = arith.index_cast %mul3A_350 : i32 to index
        %swap3A_353 = tpu.vector_load %arg12[%swap3A_351, %swap3A_352] {strides = array<i32>} : memref<16x1024xf32, #tpu.memory_space<vmem>>, vector<1x16xf32>,
        %swap3A_354 = vector.shape_cast %swap3A_353 : vector<1x16xf32> to vector<16xf32>
        %swap3A_355 = vector.shape_cast %add3A_348 : vector<16xf32> to vector<1x16xf32>
        tpu.vector_store %arg12[%swap3A_351, %swap3A_352], %swap3A_355 {strides = array<i32>} : memref<16x1024xf32, #tpu.memory_space<vmem>>, vector<1x16xf32>,
      }
      %scan3A_75 = arith.constant 64 : i32
      %get3A_76 = arith.constant 3 : i32
      %get3A_77 = arith.index_cast %get3A_76 : i32 to index
      %get3A_78 = arith.constant 0 : index
      %get3A_79 = tpu.vector_load %arg9[%get3A_77, %get3A_78] {strides = array<i32>} : memref<16x16xf32, #tpu.memory_space<vmem>>, vector<1x16xf32>,
      %get3A_80 = vector.shape_cast %get3A_79 : vector<1x16xf32> to vector<16xf32>
      %slice3A_81 = vector.extract_strided_slice %get3A_80 {offsets = [0], sizes = [1], strides = [1]} : vector<16xf32> to vector<1xf32>
      %squeeze3A_82 = vector.extract %slice3A_81[0] : f32 from vector<1xf32>
      %slice3A_83 = vector.extract_strided_slice %get3A_80 {offsets = [1], sizes = [1], strides = [1]} : vector<16xf32> to vector<1xf32>
      %squeeze3A_84 = vector.extract %slice3A_83[0] : f32 from vector<1xf32>
      %slice3A_85 = vector.extract_strided_slice %get3A_80 {offsets = [2], sizes = [1], strides = [1]} : vector<16xf32> to vector<1xf32>
      %squeeze3A_86 = vector.extract %slice3A_85[0] : f32 from vector<1xf32>
      %slice3A_87 = vector.extract_strided_slice %get3A_80 {offsets = [3], sizes = [1], strides = [1]} : vector<16xf32> to vector<1xf32>
      %squeeze3A_88 = vector.extract %slice3A_87[0] : f32 from vector<1xf32>
      %scan3A_89 = arith.constant 0 : i32
      %scan3A_90 = arith.constant 0 : i32
      %scan3A_91 = arith.constant 64 : i32
      %scan3A_92 = arith.addi %scan3A_90, %scan3A_91 : i32
      %scan3A_93 = arith.constant 1 : i32
      scf.for %scan3A_323 = %scan3A_90 to %scan3A_92 step %scan3A_93  : i32 {
        %mul3A_324 = arith.constant 16 : i32
        %mul3A_325 = arith.muli %scan3A_323, %mul3A_324 : i32
        %get3A_326 = arith.constant 3 : i32
        %get3A_327 = arith.index_cast %get3A_326 : i32 to index
        %get3A_328 = arith.index_cast %mul3A_325 : i32 to index
        %get3A_329 = tpu.vector_load %arg10[%get3A_327, %get3A_328] {strides = array<i32>} : memref<16x1024xf32, #tpu.memory_space<vmem>>, vector<1x16xf32>,
        %get3A_330 = vector.shape_cast %get3A_329 : vector<1x16xf32> to vector<16xf32>
        %mul3A_331 = arith.constant 16 : i32
        %mul3A_332 = arith.muli %scan3A_323, %mul3A_331 : i32
        %get3A_333 = arith.constant 3 : i32
        %get3A_334 = arith.index_cast %get3A_333 : i32 to index
        %get3A_335 = arith.index_cast %mul3A_332 : i32 to index
        %get3A_336 = tpu.vector_load %arg11[%get3A_334, %get3A_335] {strides = array<i32>} : memref<16x1024xf32, #tpu.memory_space<vmem>>, vector<1x16xf32>,
        %get3A_337 = vector.shape_cast %get3A_336 : vector<1x16xf32> to vector<16xf32>
        %mul3A_338 = vector.broadcast %squeeze3A_84 : f32 to vector<16xf32>
        %mul3A_339 = arith.mulf %mul3A_338, %get3A_330 : vector<16xf32>
        %add3A_340 = vector.broadcast %squeeze3A_82 : f32 to vector<16xf32>
        %add3A_341 = arith.addf %add3A_340, %mul3A_339 : vector<16xf32>
        %mul3A_342 = vector.broadcast %squeeze3A_86 : f32 to vector<16xf32>
        %mul3A_343 = arith.mulf %mul3A_342, %get3A_337 : vector<16xf32>
        %add3A_344 = arith.addf %add3A_341, %mul3A_343 : vector<16xf32>
        %mul3A_345 = arith.mulf %get3A_330, %get3A_337 : vector<16xf32>
        %mul3A_346 = vector.broadcast %squeeze3A_88 : f32 to vector<16xf32>
        %mul3A_347 = arith.mulf %mul3A_346, %mul3A_345 : vector<16xf32>
        %add3A_348 = arith.addf %add3A_344, %mul3A_347 : vector<16xf32>
        %mul3A_349 = arith.constant 16 : i32
        %mul3A_350 = arith.muli %scan3A_323, %mul3A_349 : i32
        %swap3A = arith.constant 3 : i32
        %swap3A_351 = arith.index_cast %swap3A : i32 to index
        %swap3A_352 = arith.index_cast %mul3A_350 : i32 to index
        %swap3A_353 = tpu.vector_load %arg12[%swap3A_351, %swap3A_352] {strides = array<i32>} : memref<16x1024xf32, #tpu.memory_space<vmem>>, vector<1x16xf32>,
        %swap3A_354 = vector.shape_cast %swap3A_353 : vector<1x16xf32> to vector<16xf32>
        %swap3A_355 = vector.shape_cast %add3A_348 : vector<16xf32> to vector<1x16xf32>
        tpu.vector_store %arg12[%swap3A_351, %swap3A_352], %swap3A_355 {strides = array<i32>} : memref<16x1024xf32, #tpu.memory_space<vmem>>, vector<1x16xf32>,
      }
      %scan3A_94 = arith.constant 64 : i32
      %get3A_95 = arith.constant 4 : i32
      %get3A_96 = arith.index_cast %get3A_95 : i32 to index
      %get3A_97 = arith.constant 0 : index
      %get3A_98 = tpu.vector_load %arg9[%get3A_96, %get3A_97] {strides = array<i32>} : memref<16x16xf32, #tpu.memory_space<vmem>>, vector<1x16xf32>,
      %get3A_99 = vector.shape_cast %get3A_98 : vector<1x16xf32> to vector<16xf32>
      %slice3A_100 = vector.extract_strided_slice %get3A_99 {offsets = [0], sizes = [1], strides = [1]} : vector<16xf32> to vector<1xf32>
      %squeeze3A_101 = vector.extract %slice3A_100[0] : f32 from vector<1xf32>
      %slice3A_102 = vector.extract_strided_slice %get3A_99 {offsets = [1], sizes = [1], strides = [1]} : vector<16xf32> to vector<1xf32>
      %squeeze3A_103 = vector.extract %slice3A_102[0] : f32 from vector<1xf32>
      %slice3A_104 = vector.extract_strided_slice %get3A_99 {offsets = [2], sizes = [1], strides = [1]} : vector<16xf32> to vector<1xf32>
      %squeeze3A_105 = vector.extract %slice3A_104[0] : f32 from vector<1xf32>
      %slice3A_106 = vector.extract_strided_slice %get3A_99 {offsets = [3], sizes = [1], strides = [1]} : vector<16xf32> to vector<1xf32>
      %squeeze3A_107 = vector.extract %slice3A_106[0] : f32 from vector<1xf32>
      %scan3A_108 = arith.constant 0 : i32
      %scan3A_109 = arith.constant 0 : i32
      %scan3A_110 = arith.constant 64 : i32
      %scan3A_111 = arith.addi %scan3A_109, %scan3A_110 : i32
      %scan3A_112 = arith.constant 1 : i32
      scf.for %scan3A_323 = %scan3A_109 to %scan3A_111 step %scan3A_112  : i32 {
        %mul3A_324 = arith.constant 16 : i32
        %mul3A_325 = arith.muli %scan3A_323, %mul3A_324 : i32
        %get3A_326 = arith.constant 4 : i32
        %get3A_327 = arith.index_cast %get3A_326 : i32 to index
        %get3A_328 = arith.index_cast %mul3A_325 : i32 to index
        %get3A_329 = tpu.vector_load %arg10[%get3A_327, %get3A_328] {strides = array<i32>} : memref<16x1024xf32, #tpu.memory_space<vmem>>, vector<1x16xf32>,
        %get3A_330 = vector.shape_cast %get3A_329 : vector<1x16xf32> to vector<16xf32>
        %mul3A_331 = arith.constant 16 : i32
        %mul3A_332 = arith.muli %scan3A_323, %mul3A_331 : i32
        %get3A_333 = arith.constant 4 : i32
        %get3A_334 = arith.index_cast %get3A_333 : i32 to index
        %get3A_335 = arith.index_cast %mul3A_332 : i32 to index
        %get3A_336 = tpu.vector_load %arg11[%get3A_334, %get3A_335] {strides = array<i32>} : memref<16x1024xf32, #tpu.memory_space<vmem>>, vector<1x16xf32>,
        %get3A_337 = vector.shape_cast %get3A_336 : vector<1x16xf32> to vector<16xf32>
        %mul3A_338 = vector.broadcast %squeeze3A_103 : f32 to vector<16xf32>
        %mul3A_339 = arith.mulf %mul3A_338, %get3A_330 : vector<16xf32>
        %add3A_340 = vector.broadcast %squeeze3A_101 : f32 to vector<16xf32>
        %add3A_341 = arith.addf %add3A_340, %mul3A_339 : vector<16xf32>
        %mul3A_342 = vector.broadcast %squeeze3A_105 : f32 to vector<16xf32>
        %mul3A_343 = arith.mulf %mul3A_342, %get3A_337 : vector<16xf32>
        %add3A_344 = arith.addf %add3A_341, %mul3A_343 : vector<16xf32>
        %mul3A_345 = arith.mulf %get3A_330, %get3A_337 : vector<16xf32>
        %mul3A_346 = vector.broadcast %squeeze3A_107 : f32 to vector<16xf32>
        %mul3A_347 = arith.mulf %mul3A_346, %mul3A_345 : vector<16xf32>
        %add3A_348 = arith.addf %add3A_344, %mul3A_347 : vector<16xf32>
        %mul3A_349 = arith.constant 16 : i32
        %mul3A_350 = arith.muli %scan3A_323, %mul3A_349 : i32
        %swap3A = arith.constant 4 : i32
        %swap3A_351 = arith.index_cast %swap3A : i32 to index
        %swap3A_352 = arith.index_cast %mul3A_350 : i32 to index
        %swap3A_353 = tpu.vector_load %arg12[%swap3A_351, %swap3A_352] {strides = array<i32>} : memref<16x1024xf32, #tpu.memory_space<vmem>>, vector<1x16xf32>,
        %swap3A_354 = vector.shape_cast %swap3A_353 : vector<1x16xf32> to vector<16xf32>
        %swap3A_355 = vector.shape_cast %add3A_348 : vector<16xf32> to vector<1x16xf32>
        tpu.vector_store %arg12[%swap3A_351, %swap3A_352], %swap3A_355 {strides = array<i32>} : memref<16x1024xf32, #tpu.memory_space<vmem>>, vector<1x16xf32>,
      }
      %scan3A_113 = arith.constant 64 : i32
      %get3A_114 = arith.constant 5 : i32
      %get3A_115 = arith.index_cast %get3A_114 : i32 to index
      %get3A_116 = arith.constant 0 : index
      %get3A_117 = tpu.vector_load %arg9[%get3A_115, %get3A_116] {strides = array<i32>} : memref<16x16xf32, #tpu.memory_space<vmem>>, vector<1x16xf32>,
      %get3A_118 = vector.shape_cast %get3A_117 : vector<1x16xf32> to vector<16xf32>
      %slice3A_119 = vector.extract_strided_slice %get3A_118 {offsets = [0], sizes = [1], strides = [1]} : vector<16xf32> to vector<1xf32>
      %squeeze3A_120 = vector.extract %slice3A_119[0] : f32 from vector<1xf32>
      %slice3A_121 = vector.extract_strided_slice %get3A_118 {offsets = [1], sizes = [1], strides = [1]} : vector<16xf32> to vector<1xf32>
      %squeeze3A_122 = vector.extract %slice3A_121[0] : f32 from vector<1xf32>
      %slice3A_123 = vector.extract_strided_slice %get3A_118 {offsets = [2], sizes = [1], strides = [1]} : vector<16xf32> to vector<1xf32>
      %squeeze3A_124 = vector.extract %slice3A_123[0] : f32 from vector<1xf32>
      %slice3A_125 = vector.extract_strided_slice %get3A_118 {offsets = [3], sizes = [1], strides = [1]} : vector<16xf32> to vector<1xf32>
      %squeeze3A_126 = vector.extract %slice3A_125[0] : f32 from vector<1xf32>
      %scan3A_127 = arith.constant 0 : i32
      %scan3A_128 = arith.constant 0 : i32
      %scan3A_129 = arith.constant 64 : i32
      %scan3A_130 = arith.addi %scan3A_128, %scan3A_129 : i32
      %scan3A_131 = arith.constant 1 : i32
      scf.for %scan3A_323 = %scan3A_128 to %scan3A_130 step %scan3A_131  : i32 {
        %mul3A_324 = arith.constant 16 : i32
        %mul3A_325 = arith.muli %scan3A_323, %mul3A_324 : i32
        %get3A_326 = arith.constant 5 : i32
        %get3A_327 = arith.index_cast %get3A_326 : i32 to index
        %get3A_328 = arith.index_cast %mul3A_325 : i32 to index
        %get3A_329 = tpu.vector_load %arg10[%get3A_327, %get3A_328] {strides = array<i32>} : memref<16x1024xf32, #tpu.memory_space<vmem>>, vector<1x16xf32>,
        %get3A_330 = vector.shape_cast %get3A_329 : vector<1x16xf32> to vector<16xf32>
        %mul3A_331 = arith.constant 16 : i32
        %mul3A_332 = arith.muli %scan3A_323, %mul3A_331 : i32
        %get3A_333 = arith.constant 5 : i32
        %get3A_334 = arith.index_cast %get3A_333 : i32 to index
        %get3A_335 = arith.index_cast %mul3A_332 : i32 to index
        %get3A_336 = tpu.vector_load %arg11[%get3A_334, %get3A_335] {strides = array<i32>} : memref<16x1024xf32, #tpu.memory_space<vmem>>, vector<1x16xf32>,
        %get3A_337 = vector.shape_cast %get3A_336 : vector<1x16xf32> to vector<16xf32>
        %mul3A_338 = vector.broadcast %squeeze3A_122 : f32 to vector<16xf32>
        %mul3A_339 = arith.mulf %mul3A_338, %get3A_330 : vector<16xf32>
        %add3A_340 = vector.broadcast %squeeze3A_120 : f32 to vector<16xf32>
        %add3A_341 = arith.addf %add3A_340, %mul3A_339 : vector<16xf32>
        %mul3A_342 = vector.broadcast %squeeze3A_124 : f32 to vector<16xf32>
        %mul3A_343 = arith.mulf %mul3A_342, %get3A_337 : vector<16xf32>
        %add3A_344 = arith.addf %add3A_341, %mul3A_343 : vector<16xf32>
        %mul3A_345 = arith.mulf %get3A_330, %get3A_337 : vector<16xf32>
        %mul3A_346 = vector.broadcast %squeeze3A_126 : f32 to vector<16xf32>
        %mul3A_347 = arith.mulf %mul3A_346, %mul3A_345 : vector<16xf32>
        %add3A_348 = arith.addf %add3A_344, %mul3A_347 : vector<16xf32>
        %mul3A_349 = arith.constant 16 : i32
        %mul3A_350 = arith.muli %scan3A_323, %mul3A_349 : i32
        %swap3A = arith.constant 5 : i32
        %swap3A_351 = arith.index_cast %swap3A : i32 to index
        %swap3A_352 = arith.index_cast %mul3A_350 : i32 to index
        %swap3A_353 = tpu.vector_load %arg12[%swap3A_351, %swap3A_352] {strides = array<i32>} : memref<16x1024xf32, #tpu.memory_space<vmem>>, vector<1x16xf32>,
        %swap3A_354 = vector.shape_cast %swap3A_353 : vector<1x16xf32> to vector<16xf32>
        %swap3A_355 = vector.shape_cast %add3A_348 : vector<16xf32> to vector<1x16xf32>
        tpu.vector_store %arg12[%swap3A_351, %swap3A_352], %swap3A_355 {strides = array<i32>} : memref<16x1024xf32, #tpu.memory_space<vmem>>, vector<1x16xf32>,
      }
      %scan3A_132 = arith.constant 64 : i32
      %get3A_133 = arith.constant 6 : i32
      %get3A_134 = arith.index_cast %get3A_133 : i32 to index
      %get3A_135 = arith.constant 0 : index
      %get3A_136 = tpu.vector_load %arg9[%get3A_134, %get3A_135] {strides = array<i32>} : memref<16x16xf32, #tpu.memory_space<vmem>>, vector<1x16xf32>,
      %get3A_137 = vector.shape_cast %get3A_136 : vector<1x16xf32> to vector<16xf32>
      %slice3A_138 = vector.extract_strided_slice %get3A_137 {offsets = [0], sizes = [1], strides = [1]} : vector<16xf32> to vector<1xf32>
      %squeeze3A_139 = vector.extract %slice3A_138[0] : f32 from vector<1xf32>
      %slice3A_140 = vector.extract_strided_slice %get3A_137 {offsets = [1], sizes = [1], strides = [1]} : vector<16xf32> to vector<1xf32>
      %squeeze3A_141 = vector.extract %slice3A_140[0] : f32 from vector<1xf32>
      %slice3A_142 = vector.extract_strided_slice %get3A_137 {offsets = [2], sizes = [1], strides = [1]} : vector<16xf32> to vector<1xf32>
      %squeeze3A_143 = vector.extract %slice3A_142[0] : f32 from vector<1xf32>
      %slice3A_144 = vector.extract_strided_slice %get3A_137 {offsets = [3], sizes = [1], strides = [1]} : vector<16xf32> to vector<1xf32>
      %squeeze3A_145 = vector.extract %slice3A_144[0] : f32 from vector<1xf32>
      %scan3A_146 = arith.constant 0 : i32
      %scan3A_147 = arith.constant 0 : i32
      %scan3A_148 = arith.constant 64 : i32
      %scan3A_149 = arith.addi %scan3A_147, %scan3A_148 : i32
      %scan3A_150 = arith.constant 1 : i32
      scf.for %scan3A_323 = %scan3A_147 to %scan3A_149 step %scan3A_150  : i32 {
        %mul3A_324 = arith.constant 16 : i32
        %mul3A_325 = arith.muli %scan3A_323, %mul3A_324 : i32
        %get3A_326 = arith.constant 6 : i32
        %get3A_327 = arith.index_cast %get3A_326 : i32 to index
        %get3A_328 = arith.index_cast %mul3A_325 : i32 to index
        %get3A_329 = tpu.vector_load %arg10[%get3A_327, %get3A_328] {strides = array<i32>} : memref<16x1024xf32, #tpu.memory_space<vmem>>, vector<1x16xf32>,
        %get3A_330 = vector.shape_cast %get3A_329 : vector<1x16xf32> to vector<16xf32>
        %mul3A_331 = arith.constant 16 : i32
        %mul3A_332 = arith.muli %scan3A_323, %mul3A_331 : i32
        %get3A_333 = arith.constant 6 : i32
        %get3A_334 = arith.index_cast %get3A_333 : i32 to index
        %get3A_335 = arith.index_cast %mul3A_332 : i32 to index
        %get3A_336 = tpu.vector_load %arg11[%get3A_334, %get3A_335] {strides = array<i32>} : memref<16x1024xf32, #tpu.memory_space<vmem>>, vector<1x16xf32>,
        %get3A_337 = vector.shape_cast %get3A_336 : vector<1x16xf32> to vector<16xf32>
        %mul3A_338 = vector.broadcast %squeeze3A_141 : f32 to vector<16xf32>
        %mul3A_339 = arith.mulf %mul3A_338, %get3A_330 : vector<16xf32>
        %add3A_340 = vector.broadcast %squeeze3A_139 : f32 to vector<16xf32>
        %add3A_341 = arith.addf %add3A_340, %mul3A_339 : vector<16xf32>
        %mul3A_342 = vector.broadcast %squeeze3A_143 : f32 to vector<16xf32>
        %mul3A_343 = arith.mulf %mul3A_342, %get3A_337 : vector<16xf32>
        %add3A_344 = arith.addf %add3A_341, %mul3A_343 : vector<16xf32>
        %mul3A_345 = arith.mulf %get3A_330, %get3A_337 : vector<16xf32>
        %mul3A_346 = vector.broadcast %squeeze3A_145 : f32 to vector<16xf32>
        %mul3A_347 = arith.mulf %mul3A_346, %mul3A_345 : vector<16xf32>
        %add3A_348 = arith.addf %add3A_344, %mul3A_347 : vector<16xf32>
        %mul3A_349 = arith.constant 16 : i32
        %mul3A_350 = arith.muli %scan3A_323, %mul3A_349 : i32
        %swap3A = arith.constant 6 : i32
        %swap3A_351 = arith.index_cast %swap3A : i32 to index
        %swap3A_352 = arith.index_cast %mul3A_350 : i32 to index
        %swap3A_353 = tpu.vector_load %arg12[%swap3A_351, %swap3A_352] {strides = array<i32>} : memref<16x1024xf32, #tpu.memory_space<vmem>>, vector<1x16xf32>,
        %swap3A_354 = vector.shape_cast %swap3A_353 : vector<1x16xf32> to vector<16xf32>
        %swap3A_355 = vector.shape_cast %add3A_348 : vector<16xf32> to vector<1x16xf32>
        tpu.vector_store %arg12[%swap3A_351, %swap3A_352], %swap3A_355 {strides = array<i32>} : memref<16x1024xf32, #tpu.memory_space<vmem>>, vector<1x16xf32>,
      }
      %scan3A_151 = arith.constant 64 : i32
      %get3A_152 = arith.constant 7 : i32
      %get3A_153 = arith.index_cast %get3A_152 : i32 to index
      %get3A_154 = arith.constant 0 : index
      %get3A_155 = tpu.vector_load %arg9[%get3A_153, %get3A_154] {strides = array<i32>} : memref<16x16xf32, #tpu.memory_space<vmem>>, vector<1x16xf32>,
      %get3A_156 = vector.shape_cast %get3A_155 : vector<1x16xf32> to vector<16xf32>
      %slice3A_157 = vector.extract_strided_slice %get3A_156 {offsets = [0], sizes = [1], strides = [1]} : vector<16xf32> to vector<1xf32>
      %squeeze3A_158 = vector.extract %slice3A_157[0] : f32 from vector<1xf32>
      %slice3A_159 = vector.extract_strided_slice %get3A_156 {offsets = [1], sizes = [1], strides = [1]} : vector<16xf32> to vector<1xf32>
      %squeeze3A_160 = vector.extract %slice3A_159[0] : f32 from vector<1xf32>
      %slice3A_161 = vector.extract_strided_slice %get3A_156 {offsets = [2], sizes = [1], strides = [1]} : vector<16xf32> to vector<1xf32>
      %squeeze3A_162 = vector.extract %slice3A_161[0] : f32 from vector<1xf32>
      %slice3A_163 = vector.extract_strided_slice %get3A_156 {offsets = [3], sizes = [1], strides = [1]} : vector<16xf32> to vector<1xf32>
      %squeeze3A_164 = vector.extract %slice3A_163[0] : f32 from vector<1xf32>
      %scan3A_165 = arith.constant 0 : i32
      %scan3A_166 = arith.constant 0 : i32
      %scan3A_167 = arith.constant 64 : i32
      %scan3A_168 = arith.addi %scan3A_166, %scan3A_167 : i32
      %scan3A_169 = arith.constant 1 : i32
      scf.for %scan3A_323 = %scan3A_166 to %scan3A_168 step %scan3A_169  : i32 {
        %mul3A_324 = arith.constant 16 : i32
        %mul3A_325 = arith.muli %scan3A_323, %mul3A_324 : i32
        %get3A_326 = arith.constant 7 : i32
        %get3A_327 = arith.index_cast %get3A_326 : i32 to index
        %get3A_328 = arith.index_cast %mul3A_325 : i32 to index
        %get3A_329 = tpu.vector_load %arg10[%get3A_327, %get3A_328] {strides = array<i32>} : memref<16x1024xf32, #tpu.memory_space<vmem>>, vector<1x16xf32>,
        %get3A_330 = vector.shape_cast %get3A_329 : vector<1x16xf32> to vector<16xf32>
        %mul3A_331 = arith.constant 16 : i32
        %mul3A_332 = arith.muli %scan3A_323, %mul3A_331 : i32
        %get3A_333 = arith.constant 7 : i32
        %get3A_334 = arith.index_cast %get3A_333 : i32 to index
        %get3A_335 = arith.index_cast %mul3A_332 : i32 to index
        %get3A_336 = tpu.vector_load %arg11[%get3A_334, %get3A_335] {strides = array<i32>} : memref<16x1024xf32, #tpu.memory_space<vmem>>, vector<1x16xf32>,
        %get3A_337 = vector.shape_cast %get3A_336 : vector<1x16xf32> to vector<16xf32>
        %mul3A_338 = vector.broadcast %squeeze3A_160 : f32 to vector<16xf32>
        %mul3A_339 = arith.mulf %mul3A_338, %get3A_330 : vector<16xf32>
        %add3A_340 = vector.broadcast %squeeze3A_158 : f32 to vector<16xf32>
        %add3A_341 = arith.addf %add3A_340, %mul3A_339 : vector<16xf32>
        %mul3A_342 = vector.broadcast %squeeze3A_162 : f32 to vector<16xf32>
        %mul3A_343 = arith.mulf %mul3A_342, %get3A_337 : vector<16xf32>
        %add3A_344 = arith.addf %add3A_341, %mul3A_343 : vector<16xf32>
        %mul3A_345 = arith.mulf %get3A_330, %get3A_337 : vector<16xf32>
        %mul3A_346 = vector.broadcast %squeeze3A_164 : f32 to vector<16xf32>
        %mul3A_347 = arith.mulf %mul3A_346, %mul3A_345 : vector<16xf32>
        %add3A_348 = arith.addf %add3A_344, %mul3A_347 : vector<16xf32>
        %mul3A_349 = arith.constant 16 : i32
        %mul3A_350 = arith.muli %scan3A_323, %mul3A_349 : i32
        %swap3A = arith.constant 7 : i32
        %swap3A_351 = arith.index_cast %swap3A : i32 to index
        %swap3A_352 = arith.index_cast %mul3A_350 : i32 to index
        %swap3A_353 = tpu.vector_load %arg12[%swap3A_351, %swap3A_352] {strides = array<i32>} : memref<16x1024xf32, #tpu.memory_space<vmem>>, vector<1x16xf32>,
        %swap3A_354 = vector.shape_cast %swap3A_353 : vector<1x16xf32> to vector<16xf32>
        %swap3A_355 = vector.shape_cast %add3A_348 : vector<16xf32> to vector<1x16xf32>
        tpu.vector_store %arg12[%swap3A_351, %swap3A_352], %swap3A_355 {strides = array<i32>} : memref<16x1024xf32, #tpu.memory_space<vmem>>, vector<1x16xf32>,
      }
      %scan3A_170 = arith.constant 64 : i32
      %get3A_171 = arith.constant 8 : i32
      %get3A_172 = arith.index_cast %get3A_171 : i32 to index
      %get3A_173 = arith.constant 0 : index
      %get3A_174 = tpu.vector_load %arg9[%get3A_172, %get3A_173] {strides = array<i32>} : memref<16x16xf32, #tpu.memory_space<vmem>>, vector<1x16xf32>,
      %get3A_175 = vector.shape_cast %get3A_174 : vector<1x16xf32> to vector<16xf32>
      %slice3A_176 = vector.extract_strided_slice %get3A_175 {offsets = [0], sizes = [1], strides = [1]} : vector<16xf32> to vector<1xf32>
      %squeeze3A_177 = vector.extract %slice3A_176[0] : f32 from vector<1xf32>
      %slice3A_178 = vector.extract_strided_slice %get3A_175 {offsets = [1], sizes = [1], strides = [1]} : vector<16xf32> to vector<1xf32>
      %squeeze3A_179 = vector.extract %slice3A_178[0] : f32 from vector<1xf32>
      %slice3A_180 = vector.extract_strided_slice %get3A_175 {offsets = [2], sizes = [1], strides = [1]} : vector<16xf32> to vector<1xf32>
      %squeeze3A_181 = vector.extract %slice3A_180[0] : f32 from vector<1xf32>
      %slice3A_182 = vector.extract_strided_slice %get3A_175 {offsets = [3], sizes = [1], strides = [1]} : vector<16xf32> to vector<1xf32>
      %squeeze3A_183 = vector.extract %slice3A_182[0] : f32 from vector<1xf32>
      %scan3A_184 = arith.constant 0 : i32
      %scan3A_185 = arith.constant 0 : i32
      %scan3A_186 = arith.constant 64 : i32
      %scan3A_187 = arith.addi %scan3A_185, %scan3A_186 : i32
      %scan3A_188 = arith.constant 1 : i32
      scf.for %scan3A_323 = %scan3A_185 to %scan3A_187 step %scan3A_188  : i32 {
        %mul3A_324 = arith.constant 16 : i32
        %mul3A_325 = arith.muli %scan3A_323, %mul3A_324 : i32
        %get3A_326 = arith.constant 8 : i32
        %get3A_327 = arith.index_cast %get3A_326 : i32 to index
        %get3A_328 = arith.index_cast %mul3A_325 : i32 to index
        %get3A_329 = tpu.vector_load %arg10[%get3A_327, %get3A_328] {strides = array<i32>} : memref<16x1024xf32, #tpu.memory_space<vmem>>, vector<1x16xf32>,
        %get3A_330 = vector.shape_cast %get3A_329 : vector<1x16xf32> to vector<16xf32>
        %mul3A_331 = arith.constant 16 : i32
        %mul3A_332 = arith.muli %scan3A_323, %mul3A_331 : i32
        %get3A_333 = arith.constant 8 : i32
        %get3A_334 = arith.index_cast %get3A_333 : i32 to index
        %get3A_335 = arith.index_cast %mul3A_332 : i32 to index
        %get3A_336 = tpu.vector_load %arg11[%get3A_334, %get3A_335] {strides = array<i32>} : memref<16x1024xf32, #tpu.memory_space<vmem>>, vector<1x16xf32>,
        %get3A_337 = vector.shape_cast %get3A_336 : vector<1x16xf32> to vector<16xf32>
        %mul3A_338 = vector.broadcast %squeeze3A_179 : f32 to vector<16xf32>
        %mul3A_339 = arith.mulf %mul3A_338, %get3A_330 : vector<16xf32>
        %add3A_340 = vector.broadcast %squeeze3A_177 : f32 to vector<16xf32>
        %add3A_341 = arith.addf %add3A_340, %mul3A_339 : vector<16xf32>
        %mul3A_342 = vector.broadcast %squeeze3A_181 : f32 to vector<16xf32>
        %mul3A_343 = arith.mulf %mul3A_342, %get3A_337 : vector<16xf32>
        %add3A_344 = arith.addf %add3A_341, %mul3A_343 : vector<16xf32>
        %mul3A_345 = arith.mulf %get3A_330, %get3A_337 : vector<16xf32>
        %mul3A_346 = vector.broadcast %squeeze3A_183 : f32 to vector<16xf32>
        %mul3A_347 = arith.mulf %mul3A_346, %mul3A_345 : vector<16xf32>
        %add3A_348 = arith.addf %add3A_344, %mul3A_347 : vector<16xf32>
        %mul3A_349 = arith.constant 16 : i32
        %mul3A_350 = arith.muli %scan3A_323, %mul3A_349 : i32
        %swap3A = arith.constant 8 : i32
        %swap3A_351 = arith.index_cast %swap3A : i32 to index
        %swap3A_352 = arith.index_cast %mul3A_350 : i32 to index
        %swap3A_353 = tpu.vector_load %arg12[%swap3A_351, %swap3A_352] {strides = array<i32>} : memref<16x1024xf32, #tpu.memory_space<vmem>>, vector<1x16xf32>,
        %swap3A_354 = vector.shape_cast %swap3A_353 : vector<1x16xf32> to vector<16xf32>
        %swap3A_355 = vector.shape_cast %add3A_348 : vector<16xf32> to vector<1x16xf32>
        tpu.vector_store %arg12[%swap3A_351, %swap3A_352], %swap3A_355 {strides = array<i32>} : memref<16x1024xf32, #tpu.memory_space<vmem>>, vector<1x16xf32>,
      }
      %scan3A_189 = arith.constant 64 : i32
      %get3A_190 = arith.constant 9 : i32
      %get3A_191 = arith.index_cast %get3A_190 : i32 to index
      %get3A_192 = arith.constant 0 : index
      %get3A_193 = tpu.vector_load %arg9[%get3A_191, %get3A_192] {strides = array<i32>} : memref<16x16xf32, #tpu.memory_space<vmem>>, vector<1x16xf32>,
      %get3A_194 = vector.shape_cast %get3A_193 : vector<1x16xf32> to vector<16xf32>
      %slice3A_195 = vector.extract_strided_slice %get3A_194 {offsets = [0], sizes = [1], strides = [1]} : vector<16xf32> to vector<1xf32>
      %squeeze3A_196 = vector.extract %slice3A_195[0] : f32 from vector<1xf32>
      %slice3A_197 = vector.extract_strided_slice %get3A_194 {offsets = [1], sizes = [1], strides = [1]} : vector<16xf32> to vector<1xf32>
      %squeeze3A_198 = vector.extract %slice3A_197[0] : f32 from vector<1xf32>
      %slice3A_199 = vector.extract_strided_slice %get3A_194 {offsets = [2], sizes = [1], strides = [1]} : vector<16xf32> to vector<1xf32>
      %squeeze3A_200 = vector.extract %slice3A_199[0] : f32 from vector<1xf32>
      %slice3A_201 = vector.extract_strided_slice %get3A_194 {offsets = [3], sizes = [1], strides = [1]} : vector<16xf32> to vector<1xf32>
      %squeeze3A_202 = vector.extract %slice3A_201[0] : f32 from vector<1xf32>
      %scan3A_203 = arith.constant 0 : i32
      %scan3A_204 = arith.constant 0 : i32
      %scan3A_205 = arith.constant 64 : i32
      %scan3A_206 = arith.addi %scan3A_204, %scan3A_205 : i32
      %scan3A_207 = arith.constant 1 : i32
      scf.for %scan3A_323 = %scan3A_204 to %scan3A_206 step %scan3A_207  : i32 {
        %mul3A_324 = arith.constant 16 : i32
        %mul3A_325 = arith.muli %scan3A_323, %mul3A_324 : i32
        %get3A_326 = arith.constant 9 : i32
        %get3A_327 = arith.index_cast %get3A_326 : i32 to index
        %get3A_328 = arith.index_cast %mul3A_325 : i32 to index
        %get3A_329 = tpu.vector_load %arg10[%get3A_327, %get3A_328] {strides = array<i32>} : memref<16x1024xf32, #tpu.memory_space<vmem>>, vector<1x16xf32>,
        %get3A_330 = vector.shape_cast %get3A_329 : vector<1x16xf32> to vector<16xf32>
        %mul3A_331 = arith.constant 16 : i32
        %mul3A_332 = arith.muli %scan3A_323, %mul3A_331 : i32
        %get3A_333 = arith.constant 9 : i32
        %get3A_334 = arith.index_cast %get3A_333 : i32 to index
        %get3A_335 = arith.index_cast %mul3A_332 : i32 to index
        %get3A_336 = tpu.vector_load %arg11[%get3A_334, %get3A_335] {strides = array<i32>} : memref<16x1024xf32, #tpu.memory_space<vmem>>, vector<1x16xf32>,
        %get3A_337 = vector.shape_cast %get3A_336 : vector<1x16xf32> to vector<16xf32>
        %mul3A_338 = vector.broadcast %squeeze3A_198 : f32 to vector<16xf32>
        %mul3A_339 = arith.mulf %mul3A_338, %get3A_330 : vector<16xf32>
        %add3A_340 = vector.broadcast %squeeze3A_196 : f32 to vector<16xf32>
        %add3A_341 = arith.addf %add3A_340, %mul3A_339 : vector<16xf32>
        %mul3A_342 = vector.broadcast %squeeze3A_200 : f32 to vector<16xf32>
        %mul3A_343 = arith.mulf %mul3A_342, %get3A_337 : vector<16xf32>
        %add3A_344 = arith.addf %add3A_341, %mul3A_343 : vector<16xf32>
        %mul3A_345 = arith.mulf %get3A_330, %get3A_337 : vector<16xf32>
        %mul3A_346 = vector.broadcast %squeeze3A_202 : f32 to vector<16xf32>
        %mul3A_347 = arith.mulf %mul3A_346, %mul3A_345 : vector<16xf32>
        %add3A_348 = arith.addf %add3A_344, %mul3A_347 : vector<16xf32>
        %mul3A_349 = arith.constant 16 : i32
        %mul3A_350 = arith.muli %scan3A_323, %mul3A_349 : i32
        %swap3A = arith.constant 9 : i32
        %swap3A_351 = arith.index_cast %swap3A : i32 to index
        %swap3A_352 = arith.index_cast %mul3A_350 : i32 to index
        %swap3A_353 = tpu.vector_load %arg12[%swap3A_351, %swap3A_352] {strides = array<i32>} : memref<16x1024xf32, #tpu.memory_space<vmem>>, vector<1x16xf32>,
        %swap3A_354 = vector.shape_cast %swap3A_353 : vector<1x16xf32> to vector<16xf32>
        %swap3A_355 = vector.shape_cast %add3A_348 : vector<16xf32> to vector<1x16xf32>
        tpu.vector_store %arg12[%swap3A_351, %swap3A_352], %swap3A_355 {strides = array<i32>} : memref<16x1024xf32, #tpu.memory_space<vmem>>, vector<1x16xf32>,
      }
      %scan3A_208 = arith.constant 64 : i32
      %get3A_209 = arith.constant 10 : i32
      %get3A_210 = arith.index_cast %get3A_209 : i32 to index
      %get3A_211 = arith.constant 0 : index
      %get3A_212 = tpu.vector_load %arg9[%get3A_210, %get3A_211] {strides = array<i32>} : memref<16x16xf32, #tpu.memory_space<vmem>>, vector<1x16xf32>,
      %get3A_213 = vector.shape_cast %get3A_212 : vector<1x16xf32> to vector<16xf32>
      %slice3A_214 = vector.extract_strided_slice %get3A_213 {offsets = [0], sizes = [1], strides = [1]} : vector<16xf32> to vector<1xf32>
      %squeeze3A_215 = vector.extract %slice3A_214[0] : f32 from vector<1xf32>
      %slice3A_216 = vector.extract_strided_slice %get3A_213 {offsets = [1], sizes = [1], strides = [1]} : vector<16xf32> to vector<1xf32>
      %squeeze3A_217 = vector.extract %slice3A_216[0] : f32 from vector<1xf32>
      %slice3A_218 = vector.extract_strided_slice %get3A_213 {offsets = [2], sizes = [1], strides = [1]} : vector<16xf32> to vector<1xf32>
      %squeeze3A_219 = vector.extract %slice3A_218[0] : f32 from vector<1xf32>
      %slice3A_220 = vector.extract_strided_slice %get3A_213 {offsets = [3], sizes = [1], strides = [1]} : vector<16xf32> to vector<1xf32>
      %squeeze3A_221 = vector.extract %slice3A_220[0] : f32 from vector<1xf32>
      %scan3A_222 = arith.constant 0 : i32
      %scan3A_223 = arith.constant 0 : i32
      %scan3A_224 = arith.constant 64 : i32
      %scan3A_225 = arith.addi %scan3A_223, %scan3A_224 : i32
      %scan3A_226 = arith.constant 1 : i32
      scf.for %scan3A_323 = %scan3A_223 to %scan3A_225 step %scan3A_226  : i32 {
        %mul3A_324 = arith.constant 16 : i32
        %mul3A_325 = arith.muli %scan3A_323, %mul3A_324 : i32
        %get3A_326 = arith.constant 10 : i32
        %get3A_327 = arith.index_cast %get3A_326 : i32 to index
        %get3A_328 = arith.index_cast %mul3A_325 : i32 to index
        %get3A_329 = tpu.vector_load %arg10[%get3A_327, %get3A_328] {strides = array<i32>} : memref<16x1024xf32, #tpu.memory_space<vmem>>, vector<1x16xf32>,
        %get3A_330 = vector.shape_cast %get3A_329 : vector<1x16xf32> to vector<16xf32>
        %mul3A_331 = arith.constant 16 : i32
        %mul3A_332 = arith.muli %scan3A_323, %mul3A_331 : i32
        %get3A_333 = arith.constant 10 : i32
        %get3A_334 = arith.index_cast %get3A_333 : i32 to index
        %get3A_335 = arith.index_cast %mul3A_332 : i32 to index
        %get3A_336 = tpu.vector_load %arg11[%get3A_334, %get3A_335] {strides = array<i32>} : memref<16x1024xf32, #tpu.memory_space<vmem>>, vector<1x16xf32>,
        %get3A_337 = vector.shape_cast %get3A_336 : vector<1x16xf32> to vector<16xf32>
        %mul3A_338 = vector.broadcast %squeeze3A_217 : f32 to vector<16xf32>
        %mul3A_339 = arith.mulf %mul3A_338, %get3A_330 : vector<16xf32>
        %add3A_340 = vector.broadcast %squeeze3A_215 : f32 to vector<16xf32>
        %add3A_341 = arith.addf %add3A_340, %mul3A_339 : vector<16xf32>
        %mul3A_342 = vector.broadcast %squeeze3A_219 : f32 to vector<16xf32>
        %mul3A_343 = arith.mulf %mul3A_342, %get3A_337 : vector<16xf32>
        %add3A_344 = arith.addf %add3A_341, %mul3A_343 : vector<16xf32>
        %mul3A_345 = arith.mulf %get3A_330, %get3A_337 : vector<16xf32>
        %mul3A_346 = vector.broadcast %squeeze3A_221 : f32 to vector<16xf32>
        %mul3A_347 = arith.mulf %mul3A_346, %mul3A_345 : vector<16xf32>
        %add3A_348 = arith.addf %add3A_344, %mul3A_347 : vector<16xf32>
        %mul3A_349 = arith.constant 16 : i32
        %mul3A_350 = arith.muli %scan3A_323, %mul3A_349 : i32
        %swap3A = arith.constant 10 : i32
        %swap3A_351 = arith.index_cast %swap3A : i32 to index
        %swap3A_352 = arith.index_cast %mul3A_350 : i32 to index
        %swap3A_353 = tpu.vector_load %arg12[%swap3A_351, %swap3A_352] {strides = array<i32>} : memref<16x1024xf32, #tpu.memory_space<vmem>>, vector<1x16xf32>,
        %swap3A_354 = vector.shape_cast %swap3A_353 : vector<1x16xf32> to vector<16xf32>
        %swap3A_355 = vector.shape_cast %add3A_348 : vector<16xf32> to vector<1x16xf32>
        tpu.vector_store %arg12[%swap3A_351, %swap3A_352], %swap3A_355 {strides = array<i32>} : memref<16x1024xf32, #tpu.memory_space<vmem>>, vector<1x16xf32>,
      }
      %scan3A_227 = arith.constant 64 : i32
      %get3A_228 = arith.constant 11 : i32
      %get3A_229 = arith.index_cast %get3A_228 : i32 to index
      %get3A_230 = arith.constant 0 : index
      %get3A_231 = tpu.vector_load %arg9[%get3A_229, %get3A_230] {strides = array<i32>} : memref<16x16xf32, #tpu.memory_space<vmem>>, vector<1x16xf32>,
      %get3A_232 = vector.shape_cast %get3A_231 : vector<1x16xf32> to vector<16xf32>
      %slice3A_233 = vector.extract_strided_slice %get3A_232 {offsets = [0], sizes = [1], strides = [1]} : vector<16xf32> to vector<1xf32>
      %squeeze3A_234 = vector.extract %slice3A_233[0] : f32 from vector<1xf32>
      %slice3A_235 = vector.extract_strided_slice %get3A_232 {offsets = [1], sizes = [1], strides = [1]} : vector<16xf32> to vector<1xf32>
      %squeeze3A_236 = vector.extract %slice3A_235[0] : f32 from vector<1xf32>
      %slice3A_237 = vector.extract_strided_slice %get3A_232 {offsets = [2], sizes = [1], strides = [1]} : vector<16xf32> to vector<1xf32>
      %squeeze3A_238 = vector.extract %slice3A_237[0] : f32 from vector<1xf32>
      %slice3A_239 = vector.extract_strided_slice %get3A_232 {offsets = [3], sizes = [1], strides = [1]} : vector<16xf32> to vector<1xf32>
      %squeeze3A_240 = vector.extract %slice3A_239[0] : f32 from vector<1xf32>
      %scan3A_241 = arith.constant 0 : i32
      %scan3A_242 = arith.constant 0 : i32
      %scan3A_243 = arith.constant 64 : i32
      %scan3A_244 = arith.addi %scan3A_242, %scan3A_243 : i32
      %scan3A_245 = arith.constant 1 : i32
      scf.for %scan3A_323 = %scan3A_242 to %scan3A_244 step %scan3A_245  : i32 {
        %mul3A_324 = arith.constant 16 : i32
        %mul3A_325 = arith.muli %scan3A_323, %mul3A_324 : i32
        %get3A_326 = arith.constant 11 : i32
        %get3A_327 = arith.index_cast %get3A_326 : i32 to index
        %get3A_328 = arith.index_cast %mul3A_325 : i32 to index
        %get3A_329 = tpu.vector_load %arg10[%get3A_327, %get3A_328] {strides = array<i32>} : memref<16x1024xf32, #tpu.memory_space<vmem>>, vector<1x16xf32>,
        %get3A_330 = vector.shape_cast %get3A_329 : vector<1x16xf32> to vector<16xf32>
        %mul3A_331 = arith.constant 16 : i32
        %mul3A_332 = arith.muli %scan3A_323, %mul3A_331 : i32
        %get3A_333 = arith.constant 11 : i32
        %get3A_334 = arith.index_cast %get3A_333 : i32 to index
        %get3A_335 = arith.index_cast %mul3A_332 : i32 to index
        %get3A_336 = tpu.vector_load %arg11[%get3A_334, %get3A_335] {strides = array<i32>} : memref<16x1024xf32, #tpu.memory_space<vmem>>, vector<1x16xf32>,
        %get3A_337 = vector.shape_cast %get3A_336 : vector<1x16xf32> to vector<16xf32>
        %mul3A_338 = vector.broadcast %squeeze3A_236 : f32 to vector<16xf32>
        %mul3A_339 = arith.mulf %mul3A_338, %get3A_330 : vector<16xf32>
        %add3A_340 = vector.broadcast %squeeze3A_234 : f32 to vector<16xf32>
        %add3A_341 = arith.addf %add3A_340, %mul3A_339 : vector<16xf32>
        %mul3A_342 = vector.broadcast %squeeze3A_238 : f32 to vector<16xf32>
        %mul3A_343 = arith.mulf %mul3A_342, %get3A_337 : vector<16xf32>
        %add3A_344 = arith.addf %add3A_341, %mul3A_343 : vector<16xf32>
        %mul3A_345 = arith.mulf %get3A_330, %get3A_337 : vector<16xf32>
        %mul3A_346 = vector.broadcast %squeeze3A_240 : f32 to vector<16xf32>
        %mul3A_347 = arith.mulf %mul3A_346, %mul3A_345 : vector<16xf32>
        %add3A_348 = arith.addf %add3A_344, %mul3A_347 : vector<16xf32>
        %mul3A_349 = arith.constant 16 : i32
        %mul3A_350 = arith.muli %scan3A_323, %mul3A_349 : i32
        %swap3A = arith.constant 11 : i32
        %swap3A_351 = arith.index_cast %swap3A : i32 to index
        %swap3A_352 = arith.index_cast %mul3A_350 : i32 to index
        %swap3A_353 = tpu.vector_load %arg12[%swap3A_351, %swap3A_352] {strides = array<i32>} : memref<16x1024xf32, #tpu.memory_space<vmem>>, vector<1x16xf32>,
        %swap3A_354 = vector.shape_cast %swap3A_353 : vector<1x16xf32> to vector<16xf32>
        %swap3A_355 = vector.shape_cast %add3A_348 : vector<16xf32> to vector<1x16xf32>
        tpu.vector_store %arg12[%swap3A_351, %swap3A_352], %swap3A_355 {strides = array<i32>} : memref<16x1024xf32, #tpu.memory_space<vmem>>, vector<1x16xf32>,
      }
      %scan3A_246 = arith.constant 64 : i32
      %get3A_247 = arith.constant 12 : i32
      %get3A_248 = arith.index_cast %get3A_247 : i32 to index
      %get3A_249 = arith.constant 0 : index
      %get3A_250 = tpu.vector_load %arg9[%get3A_248, %get3A_249] {strides = array<i32>} : memref<16x16xf32, #tpu.memory_space<vmem>>, vector<1x16xf32>,
      %get3A_251 = vector.shape_cast %get3A_250 : vector<1x16xf32> to vector<16xf32>
      %slice3A_252 = vector.extract_strided_slice %get3A_251 {offsets = [0], sizes = [1], strides = [1]} : vector<16xf32> to vector<1xf32>
      %squeeze3A_253 = vector.extract %slice3A_252[0] : f32 from vector<1xf32>
      %slice3A_254 = vector.extract_strided_slice %get3A_251 {offsets = [1], sizes = [1], strides = [1]} : vector<16xf32> to vector<1xf32>
      %squeeze3A_255 = vector.extract %slice3A_254[0] : f32 from vector<1xf32>
      %slice3A_256 = vector.extract_strided_slice %get3A_251 {offsets = [2], sizes = [1], strides = [1]} : vector<16xf32> to vector<1xf32>
      %squeeze3A_257 = vector.extract %slice3A_256[0] : f32 from vector<1xf32>
      %slice3A_258 = vector.extract_strided_slice %get3A_251 {offsets = [3], sizes = [1], strides = [1]} : vector<16xf32> to vector<1xf32>
      %squeeze3A_259 = vector.extract %slice3A_258[0] : f32 from vector<1xf32>
      %scan3A_260 = arith.constant 0 : i32
      %scan3A_261 = arith.constant 0 : i32
      %scan3A_262 = arith.constant 64 : i32
      %scan3A_263 = arith.addi %scan3A_261, %scan3A_262 : i32
      %scan3A_264 = arith.constant 1 : i32
      scf.for %scan3A_323 = %scan3A_261 to %scan3A_263 step %scan3A_264  : i32 {
        %mul3A_324 = arith.constant 16 : i32
        %mul3A_325 = arith.muli %scan3A_323, %mul3A_324 : i32
        %get3A_326 = arith.constant 12 : i32
        %get3A_327 = arith.index_cast %get3A_326 : i32 to index
        %get3A_328 = arith.index_cast %mul3A_325 : i32 to index
        %get3A_329 = tpu.vector_load %arg10[%get3A_327, %get3A_328] {strides = array<i32>} : memref<16x1024xf32, #tpu.memory_space<vmem>>, vector<1x16xf32>,
        %get3A_330 = vector.shape_cast %get3A_329 : vector<1x16xf32> to vector<16xf32>
        %mul3A_331 = arith.constant 16 : i32
        %mul3A_332 = arith.muli %scan3A_323, %mul3A_331 : i32
        %get3A_333 = arith.constant 12 : i32
        %get3A_334 = arith.index_cast %get3A_333 : i32 to index
        %get3A_335 = arith.index_cast %mul3A_332 : i32 to index
        %get3A_336 = tpu.vector_load %arg11[%get3A_334, %get3A_335] {strides = array<i32>} : memref<16x1024xf32, #tpu.memory_space<vmem>>, vector<1x16xf32>,
        %get3A_337 = vector.shape_cast %get3A_336 : vector<1x16xf32> to vector<16xf32>
        %mul3A_338 = vector.broadcast %squeeze3A_255 : f32 to vector<16xf32>
        %mul3A_339 = arith.mulf %mul3A_338, %get3A_330 : vector<16xf32>
        %add3A_340 = vector.broadcast %squeeze3A_253 : f32 to vector<16xf32>
        %add3A_341 = arith.addf %add3A_340, %mul3A_339 : vector<16xf32>
        %mul3A_342 = vector.broadcast %squeeze3A_257 : f32 to vector<16xf32>
        %mul3A_343 = arith.mulf %mul3A_342, %get3A_337 : vector<16xf32>
        %add3A_344 = arith.addf %add3A_341, %mul3A_343 : vector<16xf32>
        %mul3A_345 = arith.mulf %get3A_330, %get3A_337 : vector<16xf32>
        %mul3A_346 = vector.broadcast %squeeze3A_259 : f32 to vector<16xf32>
        %mul3A_347 = arith.mulf %mul3A_346, %mul3A_345 : vector<16xf32>
        %add3A_348 = arith.addf %add3A_344, %mul3A_347 : vector<16xf32>
        %mul3A_349 = arith.constant 16 : i32
        %mul3A_350 = arith.muli %scan3A_323, %mul3A_349 : i32
        %swap3A = arith.constant 12 : i32
        %swap3A_351 = arith.index_cast %swap3A : i32 to index
        %swap3A_352 = arith.index_cast %mul3A_350 : i32 to index
        %swap3A_353 = tpu.vector_load %arg12[%swap3A_351, %swap3A_352] {strides = array<i32>} : memref<16x1024xf32, #tpu.memory_space<vmem>>, vector<1x16xf32>,
        %swap3A_354 = vector.shape_cast %swap3A_353 : vector<1x16xf32> to vector<16xf32>
        %swap3A_355 = vector.shape_cast %add3A_348 : vector<16xf32> to vector<1x16xf32>
        tpu.vector_store %arg12[%swap3A_351, %swap3A_352], %swap3A_355 {strides = array<i32>} : memref<16x1024xf32, #tpu.memory_space<vmem>>, vector<1x16xf32>,
      }
      %scan3A_265 = arith.constant 64 : i32
      %get3A_266 = arith.constant 13 : i32
      %get3A_267 = arith.index_cast %get3A_266 : i32 to index
      %get3A_268 = arith.constant 0 : index
      %get3A_269 = tpu.vector_load %arg9[%get3A_267, %get3A_268] {strides = array<i32>} : memref<16x16xf32, #tpu.memory_space<vmem>>, vector<1x16xf32>,
      %get3A_270 = vector.shape_cast %get3A_269 : vector<1x16xf32> to vector<16xf32>
      %slice3A_271 = vector.extract_strided_slice %get3A_270 {offsets = [0], sizes = [1], strides = [1]} : vector<16xf32> to vector<1xf32>
      %squeeze3A_272 = vector.extract %slice3A_271[0] : f32 from vector<1xf32>
      %slice3A_273 = vector.extract_strided_slice %get3A_270 {offsets = [1], sizes = [1], strides = [1]} : vector<16xf32> to vector<1xf32>
      %squeeze3A_274 = vector.extract %slice3A_273[0] : f32 from vector<1xf32>
      %slice3A_275 = vector.extract_strided_slice %get3A_270 {offsets = [2], sizes = [1], strides = [1]} : vector<16xf32> to vector<1xf32>
      %squeeze3A_276 = vector.extract %slice3A_275[0] : f32 from vector<1xf32>
      %slice3A_277 = vector.extract_strided_slice %get3A_270 {offsets = [3], sizes = [1], strides = [1]} : vector<16xf32> to vector<1xf32>
      %squeeze3A_278 = vector.extract %slice3A_277[0] : f32 from vector<1xf32>
      %scan3A_279 = arith.constant 0 : i32
      %scan3A_280 = arith.constant 0 : i32
      %scan3A_281 = arith.constant 64 : i32
      %scan3A_282 = arith.addi %scan3A_280, %scan3A_281 : i32
      %scan3A_283 = arith.constant 1 : i32
      scf.for %scan3A_323 = %scan3A_280 to %scan3A_282 step %scan3A_283  : i32 {
        %mul3A_324 = arith.constant 16 : i32
        %mul3A_325 = arith.muli %scan3A_323, %mul3A_324 : i32
        %get3A_326 = arith.constant 13 : i32
        %get3A_327 = arith.index_cast %get3A_326 : i32 to index
        %get3A_328 = arith.index_cast %mul3A_325 : i32 to index
        %get3A_329 = tpu.vector_load %arg10[%get3A_327, %get3A_328] {strides = array<i32>} : memref<16x1024xf32, #tpu.memory_space<vmem>>, vector<1x16xf32>,
        %get3A_330 = vector.shape_cast %get3A_329 : vector<1x16xf32> to vector<16xf32>
        %mul3A_331 = arith.constant 16 : i32
        %mul3A_332 = arith.muli %scan3A_323, %mul3A_331 : i32
        %get3A_333 = arith.constant 13 : i32
        %get3A_334 = arith.index_cast %get3A_333 : i32 to index
        %get3A_335 = arith.index_cast %mul3A_332 : i32 to index
        %get3A_336 = tpu.vector_load %arg11[%get3A_334, %get3A_335] {strides = array<i32>} : memref<16x1024xf32, #tpu.memory_space<vmem>>, vector<1x16xf32>,
        %get3A_337 = vector.shape_cast %get3A_336 : vector<1x16xf32> to vector<16xf32>
        %mul3A_338 = vector.broadcast %squeeze3A_274 : f32 to vector<16xf32>
        %mul3A_339 = arith.mulf %mul3A_338, %get3A_330 : vector<16xf32>
        %add3A_340 = vector.broadcast %squeeze3A_272 : f32 to vector<16xf32>
        %add3A_341 = arith.addf %add3A_340, %mul3A_339 : vector<16xf32>
        %mul3A_342 = vector.broadcast %squeeze3A_276 : f32 to vector<16xf32>
        %mul3A_343 = arith.mulf %mul3A_342, %get3A_337 : vector<16xf32>
        %add3A_344 = arith.addf %add3A_341, %mul3A_343 : vector<16xf32>
        %mul3A_345 = arith.mulf %get3A_330, %get3A_337 : vector<16xf32>
        %mul3A_346 = vector.broadcast %squeeze3A_278 : f32 to vector<16xf32>
        %mul3A_347 = arith.mulf %mul3A_346, %mul3A_345 : vector<16xf32>
        %add3A_348 = arith.addf %add3A_344, %mul3A_347 : vector<16xf32>
        %mul3A_349 = arith.constant 16 : i32
        %mul3A_350 = arith.muli %scan3A_323, %mul3A_349 : i32
        %swap3A = arith.constant 13 : i32
        %swap3A_351 = arith.index_cast %swap3A : i32 to index
        %swap3A_352 = arith.index_cast %mul3A_350 : i32 to index
        %swap3A_353 = tpu.vector_load %arg12[%swap3A_351, %swap3A_352] {strides = array<i32>} : memref<16x1024xf32, #tpu.memory_space<vmem>>, vector<1x16xf32>,
        %swap3A_354 = vector.shape_cast %swap3A_353 : vector<1x16xf32> to vector<16xf32>
        %swap3A_355 = vector.shape_cast %add3A_348 : vector<16xf32> to vector<1x16xf32>
        tpu.vector_store %arg12[%swap3A_351, %swap3A_352], %swap3A_355 {strides = array<i32>} : memref<16x1024xf32, #tpu.memory_space<vmem>>, vector<1x16xf32>,
      }
      %scan3A_284 = arith.constant 64 : i32
      %get3A_285 = arith.constant 14 : i32
      %get3A_286 = arith.index_cast %get3A_285 : i32 to index
      %get3A_287 = arith.constant 0 : index
      %get3A_288 = tpu.vector_load %arg9[%get3A_286, %get3A_287] {strides = array<i32>} : memref<16x16xf32, #tpu.memory_space<vmem>>, vector<1x16xf32>,
      %get3A_289 = vector.shape_cast %get3A_288 : vector<1x16xf32> to vector<16xf32>
      %slice3A_290 = vector.extract_strided_slice %get3A_289 {offsets = [0], sizes = [1], strides = [1]} : vector<16xf32> to vector<1xf32>
      %squeeze3A_291 = vector.extract %slice3A_290[0] : f32 from vector<1xf32>
      %slice3A_292 = vector.extract_strided_slice %get3A_289 {offsets = [1], sizes = [1], strides = [1]} : vector<16xf32> to vector<1xf32>
      %squeeze3A_293 = vector.extract %slice3A_292[0] : f32 from vector<1xf32>
      %slice3A_294 = vector.extract_strided_slice %get3A_289 {offsets = [2], sizes = [1], strides = [1]} : vector<16xf32> to vector<1xf32>
      %squeeze3A_295 = vector.extract %slice3A_294[0] : f32 from vector<1xf32>
      %slice3A_296 = vector.extract_strided_slice %get3A_289 {offsets = [3], sizes = [1], strides = [1]} : vector<16xf32> to vector<1xf32>
      %squeeze3A_297 = vector.extract %slice3A_296[0] : f32 from vector<1xf32>
      %scan3A_298 = arith.constant 0 : i32
      %scan3A_299 = arith.constant 0 : i32
      %scan3A_300 = arith.constant 64 : i32
      %scan3A_301 = arith.addi %scan3A_299, %scan3A_300 : i32
      %scan3A_302 = arith.constant 1 : i32
      scf.for %scan3A_323 = %scan3A_299 to %scan3A_301 step %scan3A_302  : i32 {
        %mul3A_324 = arith.constant 16 : i32
        %mul3A_325 = arith.muli %scan3A_323, %mul3A_324 : i32
        %get3A_326 = arith.constant 14 : i32
        %get3A_327 = arith.index_cast %get3A_326 : i32 to index
        %get3A_328 = arith.index_cast %mul3A_325 : i32 to index
        %get3A_329 = tpu.vector_load %arg10[%get3A_327, %get3A_328] {strides = array<i32>} : memref<16x1024xf32, #tpu.memory_space<vmem>>, vector<1x16xf32>,
        %get3A_330 = vector.shape_cast %get3A_329 : vector<1x16xf32> to vector<16xf32>
        %mul3A_331 = arith.constant 16 : i32
        %mul3A_332 = arith.muli %scan3A_323, %mul3A_331 : i32
        %get3A_333 = arith.constant 14 : i32
        %get3A_334 = arith.index_cast %get3A_333 : i32 to index
        %get3A_335 = arith.index_cast %mul3A_332 : i32 to index
        %get3A_336 = tpu.vector_load %arg11[%get3A_334, %get3A_335] {strides = array<i32>} : memref<16x1024xf32, #tpu.memory_space<vmem>>, vector<1x16xf32>,
        %get3A_337 = vector.shape_cast %get3A_336 : vector<1x16xf32> to vector<16xf32>
        %mul3A_338 = vector.broadcast %squeeze3A_293 : f32 to vector<16xf32>
        %mul3A_339 = arith.mulf %mul3A_338, %get3A_330 : vector<16xf32>
        %add3A_340 = vector.broadcast %squeeze3A_291 : f32 to vector<16xf32>
        %add3A_341 = arith.addf %add3A_340, %mul3A_339 : vector<16xf32>
        %mul3A_342 = vector.broadcast %squeeze3A_295 : f32 to vector<16xf32>
        %mul3A_343 = arith.mulf %mul3A_342, %get3A_337 : vector<16xf32>
        %add3A_344 = arith.addf %add3A_341, %mul3A_343 : vector<16xf32>
        %mul3A_345 = arith.mulf %get3A_330, %get3A_337 : vector<16xf32>
        %mul3A_346 = vector.broadcast %squeeze3A_297 : f32 to vector<16xf32>
        %mul3A_347 = arith.mulf %mul3A_346, %mul3A_345 : vector<16xf32>
        %add3A_348 = arith.addf %add3A_344, %mul3A_347 : vector<16xf32>
        %mul3A_349 = arith.constant 16 : i32
        %mul3A_350 = arith.muli %scan3A_323, %mul3A_349 : i32
        %swap3A = arith.constant 14 : i32
        %swap3A_351 = arith.index_cast %swap3A : i32 to index
        %swap3A_352 = arith.index_cast %mul3A_350 : i32 to index
        %swap3A_353 = tpu.vector_load %arg12[%swap3A_351, %swap3A_352] {strides = array<i32>} : memref<16x1024xf32, #tpu.memory_space<vmem>>, vector<1x16xf32>,
        %swap3A_354 = vector.shape_cast %swap3A_353 : vector<1x16xf32> to vector<16xf32>
        %swap3A_355 = vector.shape_cast %add3A_348 : vector<16xf32> to vector<1x16xf32>
        tpu.vector_store %arg12[%swap3A_351, %swap3A_352], %swap3A_355 {strides = array<i32>} : memref<16x1024xf32, #tpu.memory_space<vmem>>, vector<1x16xf32>,
      }
      %scan3A_303 = arith.constant 64 : i32
      %get3A_304 = arith.constant 15 : i32
      %get3A_305 = arith.index_cast %get3A_304 : i32 to index
      %get3A_306 = arith.constant 0 : index
      %get3A_307 = tpu.vector_load %arg9[%get3A_305, %get3A_306] {strides = array<i32>} : memref<16x16xf32, #tpu.memory_space<vmem>>, vector<1x16xf32>,
      %get3A_308 = vector.shape_cast %get3A_307 : vector<1x16xf32> to vector<16xf32>
      %slice3A_309 = vector.extract_strided_slice %get3A_308 {offsets = [0], sizes = [1], strides = [1]} : vector<16xf32> to vector<1xf32>
      %squeeze3A_310 = vector.extract %slice3A_309[0] : f32 from vector<1xf32>
      %slice3A_311 = vector.extract_strided_slice %get3A_308 {offsets = [1], sizes = [1], strides = [1]} : vector<16xf32> to vector<1xf32>
      %squeeze3A_312 = vector.extract %slice3A_311[0] : f32 from vector<1xf32>
      %slice3A_313 = vector.extract_strided_slice %get3A_308 {offsets = [2], sizes = [1], strides = [1]} : vector<16xf32> to vector<1xf32>
      %squeeze3A_314 = vector.extract %slice3A_313[0] : f32 from vector<1xf32>
      %slice3A_315 = vector.extract_strided_slice %get3A_308 {offsets = [3], sizes = [1], strides = [1]} : vector<16xf32> to vector<1xf32>
      %squeeze3A_316 = vector.extract %slice3A_315[0] : f32 from vector<1xf32>
      %scan3A_317 = arith.constant 0 : i32
      %scan3A_318 = arith.constant 0 : i32
      %scan3A_319 = arith.constant 64 : i32
      %scan3A_320 = arith.addi %scan3A_318, %scan3A_319 : i32
      %scan3A_321 = arith.constant 1 : i32
      scf.for %scan3A_323 = %scan3A_318 to %scan3A_320 step %scan3A_321  : i32 {
        %mul3A_324 = arith.constant 16 : i32
        %mul3A_325 = arith.muli %scan3A_323, %mul3A_324 : i32
        %get3A_326 = arith.constant 15 : i32
        %get3A_327 = arith.index_cast %get3A_326 : i32 to index
        %get3A_328 = arith.index_cast %mul3A_325 : i32 to index
        %get3A_329 = tpu.vector_load %arg10[%get3A_327, %get3A_328] {strides = array<i32>} : memref<16x1024xf32, #tpu.memory_space<vmem>>, vector<1x16xf32>,
        %get3A_330 = vector.shape_cast %get3A_329 : vector<1x16xf32> to vector<16xf32>
        %mul3A_331 = arith.constant 16 : i32
        %mul3A_332 = arith.muli %scan3A_323, %mul3A_331 : i32
        %get3A_333 = arith.constant 15 : i32
        %get3A_334 = arith.index_cast %get3A_333 : i32 to index
        %get3A_335 = arith.index_cast %mul3A_332 : i32 to index
        %get3A_336 = tpu.vector_load %arg11[%get3A_334, %get3A_335] {strides = array<i32>} : memref<16x1024xf32, #tpu.memory_space<vmem>>, vector<1x16xf32>,
        %get3A_337 = vector.shape_cast %get3A_336 : vector<1x16xf32> to vector<16xf32>
        %mul3A_338 = vector.broadcast %squeeze3A_312 : f32 to vector<16xf32>
        %mul3A_339 = arith.mulf %mul3A_338, %get3A_330 : vector<16xf32>
        %add3A_340 = vector.broadcast %squeeze3A_310 : f32 to vector<16xf32>
        %add3A_341 = arith.addf %add3A_340, %mul3A_339 : vector<16xf32>
        %mul3A_342 = vector.broadcast %squeeze3A_314 : f32 to vector<16xf32>
        %mul3A_343 = arith.mulf %mul3A_342, %get3A_337 : vector<16xf32>
        %add3A_344 = arith.addf %add3A_341, %mul3A_343 : vector<16xf32>
        %mul3A_345 = arith.mulf %get3A_330, %get3A_337 : vector<16xf32>
        %mul3A_346 = vector.broadcast %squeeze3A_316 : f32 to vector<16xf32>
        %mul3A_347 = arith.mulf %mul3A_346, %mul3A_345 : vector<16xf32>
        %add3A_348 = arith.addf %add3A_344, %mul3A_347 : vector<16xf32>
        %mul3A_349 = arith.constant 16 : i32
        %mul3A_350 = arith.muli %scan3A_323, %mul3A_349 : i32
        %swap3A = arith.constant 15 : i32
        %swap3A_351 = arith.index_cast %swap3A : i32 to index
        %swap3A_352 = arith.index_cast %mul3A_350 : i32 to index
        %swap3A_353 = tpu.vector_load %arg12[%swap3A_351, %swap3A_352] {strides = array<i32>} : memref<16x1024xf32, #tpu.memory_space<vmem>>, vector<1x16xf32>,
        %swap3A_354 = vector.shape_cast %swap3A_353 : vector<1x16xf32> to vector<16xf32>
        %swap3A_355 = vector.shape_cast %add3A_348 : vector<16xf32> to vector<1x16xf32>
        tpu.vector_store %arg12[%swap3A_351, %swap3A_352], %swap3A_355 {strides = array<i32>} : memref<16x1024xf32, #tpu.memory_space<vmem>>, vector<1x16xf32>,
      }
      %scan3A_322 = arith.constant 64 : i32
      "tpu.region"() ({
        %run_scoped3A = tpu.sem_alloc : memref<!tpu.dma_semaphore, #tpu.memory_space<semaphore_mem>>
        %dma_start3A_323 = arith.constant 0 : i32
        %dma_start3A_324 = tpu.memref_slice %arg6[%add3A_11, %dma_start3A_323] : memref<16384x1024xf32, #tpu.memory_space<hbm>> -> memref<16x1024xf32, #tpu.memory_space<hbm>>
        %dma_start3A_325 = arith.constant 0 : i32
        %dma_start3A_326 = tpu.memref_slice %arg6[%add3A_11, %dma_start3A_325] : memref<16384x1024xf32, #tpu.memory_space<hbm>> -> memref<16x1024xf32, #tpu.memory_space<hbm>>
        tpu.enqueue_dma source(%arg12 : memref<16x1024xf32, #tpu.memory_space<vmem>>) target(%dma_start3A_326 : memref<16x1024xf32, #tpu.memory_space<hbm>>) target_semaphore(%run_scoped3A : memref<!tpu.dma_semaphore, #tpu.memory_space<semaphore_mem>>)
        %dma_wait3A_327 = arith.constant 0 : i32
        %dma_wait3A_328 = tpu.memref_slice %arg6[%add3A_11, %dma_wait3A_327] : memref<16384x1024xf32, #tpu.memory_space<hbm>> -> memref<16x1024xf32, #tpu.memory_space<hbm>>
        %dma_wait3A_329 = arith.constant 0 : i32
        %dma_wait3A_330 = tpu.memref_slice %arg6[%add3A_11, %dma_wait3A_329] : memref<16384x1024xf32, #tpu.memory_space<hbm>> -> memref<16x1024xf32, #tpu.memory_space<hbm>>
        tpu.wait_dma2 semaphore(%run_scoped3A : memref<!tpu.dma_semaphore, #tpu.memory_space<semaphore_mem>>) src(%arg12 : memref<16x1024xf32, #tpu.memory_space<vmem>>) dst(%dma_wait3A_330 : memref<16x1024xf32, #tpu.memory_space<hbm>>)
        tpu.yield
      }) : () -> ()
    }
    %scan3A_5 = arith.constant 32 : i32
    return
  }
}

module attributes {stable_mosaic.version = 14 : i64} {
  func.func @_coef_body(%arg0: memref<16384x16xf32, #tpu.memory_space<vmem>>, %arg1: memref<16x16xf32, #tpu.memory_space<vmem>>, %arg2: memref<16384x16xf32, #tpu.memory_space<vmem>>) attributes {dimension_semantics = [], scalar_prefetch = 0 : i64, scratch_operands = 0 : i64, tpu.core_type = #tpu.core_type<tc>} {
    %get3A = arith.constant 0 : index
    %get3A_0 = arith.constant 0 : index
    %get3A_1 = vector.load %arg0[%get3A, %get3A_0] : memref<16384x16xf32, #tpu.memory_space<vmem>>, vector<16384x16xf32>
    %reduce_max3A = arith.constant dense<0xFF800000> : vector<16384xf32>
    %reduce_max3A_2 = vector.multi_reduction <maximumf>, %get3A_1, %reduce_max3A [1] : vector<16384x16xf32> to vector<16384xf32>
    %broadcast_in_dim3A = vector.shape_cast %reduce_max3A_2 : vector<16384xf32> to vector<16384x1xf32>
    %sub3A = vector.broadcast %broadcast_in_dim3A : vector<16384x1xf32> to vector<16384x16xf32>
    %sub3A_3 = arith.subf %get3A_1, %sub3A : vector<16384x16xf32>
    %exp3A = math.exp %sub3A_3 : vector<16384x16xf32>
    %reduce_sum3A = arith.constant dense<0.000000e+00> : vector<16384xf32>
    %reduce_sum3A_4 = vector.multi_reduction <add>, %exp3A, %reduce_sum3A [1] : vector<16384x16xf32> to vector<16384xf32>
    %broadcast_in_dim3A_5 = vector.shape_cast %reduce_sum3A_4 : vector<16384xf32> to vector<16384x1xf32>
    %div3A = vector.broadcast %broadcast_in_dim3A_5 : vector<16384x1xf32> to vector<16384x16xf32>
    %div3A_6 = arith.divf %exp3A, %div3A : vector<16384x16xf32>
    %get3A_7 = arith.constant 0 : index
    %get3A_8 = arith.constant 0 : index
    %get3A_9 = vector.load %arg1[%get3A_7, %get3A_8] : memref<16x16xf32, #tpu.memory_space<vmem>>, vector<16x16xf32>
    %dot_general3A = arith.constant dense<0.000000e+00> : vector<16384x16xf32>
    %dot_general3A_10 = tpu.matmul %div3A_6, %get3A_9, %dot_general3A {dimension_numbers = #tpu.dot_dimension_numbers<[1], [0], [0], [1], [0, 0, 1, 1], [], []>, transpose_lhs_hint = false} : vector<16384x16xf32>, vector<16x16xf32>, vector<16384x16xf32> -> vector<16384x16xf32>
    %swap3A = arith.constant 0 : index
    %swap3A_11 = arith.constant 0 : index
    %swap3A_12 = vector.load %arg2[%swap3A, %swap3A_11] : memref<16384x16xf32, #tpu.memory_space<vmem>>, vector<16384x16xf32>
    tpu.vector_store %arg2[%swap3A, %swap3A_11], %dot_general3A_10 {strides = array<i32>} : memref<16384x16xf32, #tpu.memory_space<vmem>>, vector<16384x16xf32>,
    return
  }
}

</mosaic_0001>

<sc_bundles>
// kernel: kernel.4.cloned.1.call-start
scs
__scs_entry_jumppad:
0x0: {  	(pc) =	sbr.rel $0x88, $3  }
0x1: {  	(tag) =	ssettag $0x0;
	lr =	simm.s32 $0x1  }
0x2: {  	[smem:$0x3F9D] =	sst lr;
	_ =	strace $0xD0000000  }
0x3: {  	_ = 	snop  }
0x4: {  	_ = 	snop  }
0x5: {  	_ = 	snop  }
0x6: {  	_ = 	snop  }
0x7: {  	_ = 	snop  }
__scs_overlays_trampoline_lowered:
0x8: {  	[smem:$0x3FAC] =	sst s0  }
0x9: {  	[smem:$0x3FAD] =	sst s1  }
0xa: {  	[smem:$0x3FAE] =	sst s2  }
0xb: {  	[smem:$0x3FAF] =	sst s3  }
0xc: {  	[smem:$0x3FB0] =	sst s4  }
0xd: {  	[smem:$0x3FB1] =	sst s5  }
0xe: {  	[smem:$0x3FB2] =	sst s6  }
0xf: {  	[smem:$0x3FB3] =	sst s7  }
0x10: {  	[smem:$0x3FB4] =	sst s8  }
0x11: {  	[smem:$0x3FB5] =	sst s9;
	s0 =	simm.s32 @!p0 $0x0  }
0x12: {  	s1 =	sld [smem:$0x3F9B];
	s0 =	simm.s32 @p0 $0x1  }
0x13: {  	[smem:$0x3FB6] =	sst s0;
	s0 =	simm.s32 @!p1 $0x0  }
0x14: {  	s2 =	sld [smem:$0x3F9A];
	s0 =	simm.s32 @p1 $0x1  }
0x15: {  	[smem:$0x3FB7] =	sst s0;
	s0 =	simm.s32 @!p2 $0x0  }
0x16: {  	s3 =	sld [smem:$0x3FDB];
	s0 =	simm.s32 @p2 $0x1  }
0x17: {  	s4 =	simm.s32 $0x1BF5;
	[smem:$0x3FB9] =	sst s0  }
0x18: {  	s0 =	sld [smem:$0x3F9C];
	_ =	swait.ge [sflag:s4], $0x0  }
0x19: {  	s7 =	sld [smem:$0x3F9D]  }
0x1a: {  	s8 =	sadd.s32 $0xFFFFE003, lr  }
0x1b: {  	s9 =	sadd.s32 $0xFFFFFEF7, lr;
	s5 =	simm.s32 $0xFFFFFFFF;
	p2 =	slt.u32 s8, $0xFFFFF086  }
0x1c: {  	p1 =	slt.u32 s9, $0xF7A;
	s5 =	simm.s32 @!p2 $0x0  }
0x1d: {  	s5 =	simm.s32 @p1 $0x1;
	p0 =	seq.s32 s7, s2  }
0x1e: {  	s7 =	smul.u32 @!p0 $0xF7A, s2;
	p2 =	seq.s32 @!p0 s5, $0x0  }
0x1f: {  	s9 =	smul.u32 $0xF7A, s1;
	s8 =	simm.s32 @!p0 $0x1BF5;
	p2 =	por !p2, p0  }
0x20: {  	[sflag:s8] =	ssyncset.s32 @!p0 $0xFFFFF086;
	s6 =	sadd.s32 @!p0 s3, s7;
	s7 =	simm.s32 @!p0 $0x108  }
0x21: {  	s3 =	sadd.s32 s3, s9;
	s6 =	sadd.s32 @!p0 $0x88, s6;
	s7 =	simm.s32 @p2 $0x1082  }
0x22: {  	[simem:s7], [sflag:s8] =	dma.local @!p0 [hbm:s6], $0xF7A  }
0x23: {  	s9 =	sor.u32 $0xD0000000, s2;
	s6 =	simm.s32 $0x108;
	_ =	swait.ge @!p0 [sflag:s8], $0x0  }
0x24: {  	s3 =	sadd.s32 $0x88, s3;
	s6 =	simm.s32 @!p1 $0x1082;
	[sflag:s4] =	ssyncset.s32 $0xFFFFF086  }
0x25: {  	[simem:s6], [sflag:s4] =	dma.local [hbm:s3], $0xF7A  }
0x26: {  	[smem:$0x3F9D] =	sst s1;
	(tag) =	ssettag s2;
	_ =	strace s9  }
0x27: {  	s1 =	sld [smem:$0x3FAD]  }
0x28: {  	s2 =	sld [smem:$0x3FAE]  }
0x29: {  	s4 =	sld [smem:$0x3FB0]  }
0x2a: {  	p0 =	seq.s32 s5, $0x0;
	s5 =	sld [smem:$0x3FB1]  }
0x2b: {  	s6 =	sld [smem:$0x3FB2]  }
0x2c: {  	s7 =	sld [smem:$0x3FB3]  }
0x2d: {  	s3 =	simm.s32 $0x108;
	s8 =	sld [smem:$0x3FB4]  }
0x2e: {  	s3 =	simm.s32 @!p0 $0x1082;
	s9 =	sld [smem:$0x3FB5]  }
0x2f: {  	lr =	sadd.s32 s0, s3;
	s0 =	sld [smem:$0x3FAC]  }
0x30: {  	s3 =	sld [smem:$0x3FAF]  }
0x31: {  	[smem:$0x3FB8] =	sst s10  }
0x32: {  	s10 =	sld [smem:$0x3FB6];
	_ =	sdelay $0x3  }
0x33: {  	p0 =	seq.s32 s10, $0x1;
	s10 =	sld [smem:$0x3FB8];
	_ =	sdelay $0x3  }
0x34: {  	[smem:$0x3FB8] =	sst s10  }
0x35: {  	s10 =	sld [smem:$0x3FB7];
	_ =	sdelay $0x3  }
0x36: {  	p1 =	seq.s32 s10, $0x1;
	s10 =	sld [smem:$0x3FB8];
	_ =	sdelay $0x3  }
0x37: {  	[smem:$0x3FB8] =	sst s10  }
0x38: {  	s10 =	sld [smem:$0x3FB9]  }
0x39: {  	_ = 	snop;
	(pc) =	sbr.ind lr, $3  }
0x3a: {  	_ = 	snop  }
0x3b: {  	_ = 	snop  }
0x3c: {  	p2 =	seq.s32 s10, $0x1;
	s10 =	sld [smem:$0x3FB8]  }
0x3d: {  	_ =	shalt  }
0x3e: {  	_ =	shalt  }
0x3f: {  	_ =	shalt  }
0x40: {  	_ =	shalt  }
0x41: {  	_ =	shalt  }
0x42: {  	_ =	shalt  }
0x43: {  	_ =	shalt  }
0x44: {  	_ =	shalt  }
0x45: {  	_ =	shalt  }
0x46: {  	_ =	shalt  }
0x47: {  	_ =	shalt  }
0x48: {  	_ =	shalt  }
0x49: {  	_ =	shalt  }
0x4a: {  	_ =	shalt  }
0x4b: {  	_ =	shalt  }
0x4c: {  	_ =	shalt  }
0x4d: {  	_ =	shalt  }
0x4e: {  	_ =	shalt  }
0x4f: {  	_ =	shalt  }
0x50: {  	_ =	shalt  }
0x51: {  	_ =	shalt  }
0x52: {  	_ =	shalt  }
0x53: {  	_ =	shalt  }
0x54: {  	_ =	shalt  }
0x55: {  	_ =	shalt  }
0x56: {  	_ =	shalt  }
0x57: {  	_ =	shalt  }
0x58: {  	_ =	shalt  }
0x59: {  	_ =	shalt  }
0x5a: {  	_ =	shalt  }
0x5b: {  	_ =	shalt  }
0x5c: {  	_ =	shalt  }
0x5d: {  	_ =	shalt  }
0x5e: {  	_ =	shalt  }
0x5f: {  	_ =	shalt  }
0x60: {  	_ =	shalt  }
0x61: {  	_ =	shalt  }
0x62: {  	_ =	shalt  }
0x63: {  	_ =	shalt  }
0x64: {  	_ =	shalt  }
0x65: {  	_ =	shalt  }
0x66: {  	_ =	shalt  }
0x67: {  	_ =	shalt  }
0x68: {  	_ =	shalt  }
0x69: {  	_ =	shalt  }
0x6a: {  	_ =	shalt  }
0x6b: {  	_ =	shalt  }
0x6c: {  	_ =	shalt  }
0x6d: {  	_ =	shalt  }
0x6e: {  	_ =	shalt  }
0x6f: {  	_ =	shalt  }
0x70: {  	_ =	shalt  }
0x71: {  	_ =	shalt  }
0x72: {  	_ =	shalt  }
0x73: {  	_ =	shalt  }
0x74: {  	_ =	shalt  }
0x75: {  	_ =	shalt  }
0x76: {  	_ =	shalt  }
0x77: {  	_ =	shalt  }
0x78: {  	_ =	shalt  }
0x79: {  	_ =	shalt  }
0x7a: {  	_ =	shalt  }
0x7b: {  	_ =	shalt  }
0x7c: {  	_ =	shalt  }
0x7d: {  	_ =	shalt  }
0x7e: {  	_ =	shalt  }
0x7f: {  	_ =	shalt  }
0x80: {  	_ =	shalt  }
0x81: {  	_ =	shalt  }
0x82: {  	_ =	shalt  }
0x83: {  	_ =	shalt  }
0x84: {  	_ =	shalt  }
0x85: {  	_ =	shalt  }
0x86: {  	_ =	shalt  }
0x87: {  	_ =	shalt  }
.Lfunc_end0:
.L_simem_size_0:
called_computation.1_lowered:
.L_overlay_start_0:
0x88: {  	s2 =	sld [smem:$0x3FD9]  }
0x89: {  	s3 =	sld [smem:$0x3FFE];
	_ =	sdelay $0x1  }
0x8a: {  	s1 =	srdreg.scid  }
0x8b: {  	s0 =	sand.u32 $0x1, s1  }
0x8c: {  	s17 =	sshll.u32 s0, $0xA;
	s2 =	sadd.s32 s3, s2  }
0x8d: {  	s2 =	sadd.s32 s2, s17  }
0x8e: {  	[smem:$0x3FC4] =	sst s2  }
0x8f: {  	_ = 	snop  }
0x90: {  	s2 =	sld [smem:$0x3FC7]  }
0x91: {  	s18 =	sld [smem:$0x3FC6]  }
0x92: {  	s4 =	sld [smem:$0x3FD0];
	(tm) =	ssettm $0x1  }
0x93: {  	s5 =	sld [smem:$0x3FFB];
	_ =	sdelay $0x3  }
0x94: {  	_ =	strace s5  }
0x95: {  	s5 =	sld [smem:$0x3FFC];
	_ =	sdelay $0x3  }
0x96: {  	_ =	strace s5  }
0x97: {  	s5 =	sld [smem:$0x3FFD];
	_ =	sdelay $0x3  }
0x98: {  	_ =	strace s5  }
0x99: {  	_ =	strace $0x8FFFFFFF  }
0x9a: {  	s19 =	sld [smem:$0x3FDB];
	_ =	sdelay $0x1  }
0x9b: {  	s6 =	simm.s32 $_scs_section_size  }
0x9c: {  	s7 =	simm.s32 $_size__tile_overlayer_lowered;
	s8 =	simm.s32 $_tile_overlayer_lowered  }
0x9d: {  	s22 =	simm.s32 $0x1BFF;
	s21 =	sshll.u32 s8, $0x1;
	s5 =	sadd.s32 s6, s19  }
0x9e: {  	s9 =	simm.s32 $0x0;
	s20 =	sshll.u32 s7, $0x1;
	s7 =	sadd.s32 s21, s5  }
0x9f: {  	[timem:s9], [sflag:s22] =	dma.local [hbm:s7], s20  }
0xa0: {  	_ =	swait.ge [sflag:s22], s20  }
0xa1: {  	s6 =	ssub.s32 $0x0, s20;
	[sflag:s22] =	ssyncset.done $0x0  }
0xa2: {  	[sflag:s22] =	ssyncadd.s32 s6;
	_ =	sdelay $0x1  }
0xa3: {  	s23 =	simm.s32 $0x1B8B  }
0xa4: {  	_ =	swait.ge [sflag:s23], $0x1  }
0xa5: {  	[sflag:s23] =	ssyncset.done $0x0  }
0xa6: {  	s25 =	simm.s32 $0x1B8E;
	s24 =	sld [smem:$0x3FFE];
	[sflag:s23] =	ssyncadd.s32 $0xFFFFFFFF  }
0xa7: {  	s26 =	simm.s32 $execute0_lowered;
	[smem:$0x3FD2] =	sst s25  }
0xa8: {  	s7 =	sshll.u32 s26, $0x1;
	_ =	strace $0x80000046;
	[dreg:$0x1] =	wrdreg $0xFFFFFFFF  }
0xa9: {  	s28 =	simm.s32 $_size_execute0_lowered;
	s5 =	sadd.s32 s5, s7;
	[dreg:$0x0] =	wrdreg $0x0  }
0xaa: {  	s7 =	sshll.u32 s28, $0x1;
	[dreg:$0x2] =	wrdreg s5  }
0xab: {  	[dreg:$0x3] =	wrdreg s7  }
0xac: {  	[dreg:$0x4] =	wrdreg $0xC0  }
0xad: {  	_ =	task [dreg:s9], $0x5FFFF  }
0xae: {  	[dreg:$0x1] =	wrdreg $0xFFFFFFFF  }
0xaf: {  	[dreg:$0x0] =	wrdreg $0x60  }
0xb0: {  	[dreg:$0x2] =	wrdreg s4  }
0xb1: {  	[dreg:$0x3] =	wrdreg s24  }
0xb2: {  	[dreg:$0x4] =	wrdreg s2  }
0xb3: {  	[dreg:$0x5] =	wrdreg s18  }
0xb4: {  	[dreg:$0x6] =	wrdreg $0x9  }
0xb5: {  	_ =	task.clear_ibuf [dreg:s9], $0x7FFFF;
	_ =	strace $0x90000046  }
0xb6: {  	s29 =	simm.s32 $0x9;
	_ =	strace $0x80000048  }
0xb7: {  	_ =	swait.ge [sflag:s29], $0x1  }
0xb8: {  	[sflag:s29] =	ssyncadd.s32 $0xFFFFFFFF  }
0xb9: {  	_ =	strace $0x90000048  }
0xba: {  	_ =	sfence  }
0xbb: {  	s30 =	sld [smem:$0x0];
	_ =	sdelay $0x2  }
0xbc: {  	s31 =	sshll.u32 s1, $0xD;
	s1 =	sshrl.u32 s1, $0x2  }
0xbd: {  	s3 =	sand.u32 $0x4000, s31;
	s1 =	sadd.s32 s1, s30  }
0xbe: {  	s0 =	sor.u32 s3, s0;
	s1 =	sshll.u32 s1, $0x11  }
0xbf: {  	s0 =	sor.u32 s1, s0  }
0xc0: {  	s0 =	sadd.s32 $0x8F2B, s0  }
0xc1: {  	[sflag:s0] =	ssyncadd.remote.s32 $0x1  }
0xc2: {  	_ =	sfence.sel $0xFFFF  }
0xc3: {  	[dreg:$0x0] =	wrdreg $0xFFFFFFFF;
	(pc) =	sbr.abs _section_cstart, $3  }
0xc4: {  	[dreg:$0x1] =	wrdreg $0xFFFFFFFF  }
0xc5: {  	_ =	task.clear_ibuf [dreg:s9], $0x2FFFF;
	_ =	strace $0x9FFFFFFF  }
0xc6: {  	(tm) =	ssettm $0x7FFFFFFF  }
0xc7: {  	_ =	shalt  }
tec
execute0_lowered:
.L_overlay_start_1:
0x0: {  	(tag) =	ssettag $0x1  }
0x1: {  	s1 =	rddreg [dreg:$0x0]  }
0x2: {  	s0 =	rddreg [dreg:$0x1]  }
0x3: {  	s2 =	simm.s32 $0x0;
	s25 =	srdreg.scid;
	s5 =	stileid.u32  }
0x4: {  	s13 =	simm.s32 $0x3;
	s20 =	simm.s32 $0x2900;
	s21 =	simm.s32 $0x3100  }
0x5: {  	s22 =	simm.s32 $0x3900;
	s23 =	simm.s32 $0x4100;
	s24 =	simm.s32 $0x4900  }
0x6: {  	s28 =	simm.s32 $0x6100;
	s29 =	simm.s32 $0x6900;
	s30 =	simm.s32 $0x7100  }
0x7: {  	s31 =	simm.s32 $0x7900;
	s12 =	simm.s32 $0x2;
	[smem:$0x7FF] =	sst s2  }
0x8: {  	s2 =	sand.u32 $0x1, s25;
	s6 =	sadd.s32 $0xC00, s0;
	s5 =	sshll.u32 s5, $0xA  }
0x9: {  	s7 =	sadd.s32 $0x40C00, s0;
	s9 =	sadd.s32 $0x100, s1;
	s10 =	sadd.s32 $0x200, s1  }
0xa: {  	s11 =	sadd.s32 $0x300, s1;
	s25 =	simm.s32 $0x5100;
	s3 =	ssub.s32 $0x2, s2  }
0xb: {  	_ =	strace $0x80000047;
	s2 =	sshll.u32 s2, $0x9;
	s4 =	sshrl.u32 s3, $0x1  }
0xc: {  	v2 =	vlaneseq.u32;
	s8 =	sor.u32 s2, s5;
	s5 =	simm.s32 $0x1;
	s26 =	ssub.s32 s3, s4  }
0xd: {  	vm0 =	vmmov $0xffff;
	v1 =	vshrl.u32 v2, $0x3;
	s2 =	simm.s32 $0x8900;
	s4 =	simm.s32 $0x0;
	s0 =	smax.u32 s26, $0x1  }
0xe: {  	v0 =	vand.u32 $0x7, v2;
	v2 =	vor.u32 $0x8, v2;
	v1 =	vmul.u32 $0x8, v1;
	s26 =	simm.s32 $0x5900;
	[dreg:$0x5] =	wrdreg s0;
	s0 =	simm.s32 $0x8100  }
.LBB2_1:
0xf: {  	[dreg:$0x6] =	wrdreg s4;
	s3 =	simm.s32 $0x0  }
.LBB2_2:
0x10: {  	s4 =	sshll.u32 s3, $0x4  }
0x11: {  	s4 =	sadd.s32 s8, s4  }
0x12: {  	s15 =	rddreg [dreg:$0x2];
	s14 =	sshrl.u32 s4, $0x3  }
0x13: {  	s16 =	simm.s32 $0x0;
	s15 =	sadd.s32 s15, s14  }
0x14: {  	[tilespmem:s16], [sflag:$0x3] =	stream.linear.gather [hbm4b:s15+s16], $0x10, $0x38;
	[tilespmem:$0xC900] =	vst v63  }
0x15: {  	_ =	swait.ge [sflag:s13], $0x10  }
0x16: {  	[sflag:s13] =	ssyncset.done $0x0  }
0x17: {  	[sflag:s13] =	ssyncadd.s32 $0xFFFFFFF0  }
0x18: {  	s19 =	rddreg [dreg:$0x3]  }
0x19: {  	s17 =	simm.s32 $0x80;
	s14 =	sadd.s32 s19, s14  }
0x1a: {  	[tilespmem:s17], [sflag:$0x3] =	stream.linear.gather [hbm4b:s14+s16], $0x10, $0x38;
	[tilespmem:$0xC900] =	vst v63  }
0x1b: {  	_ =	swait.ge [sflag:s13], $0x10  }
0x1c: {  	s18 =	sshll.u32 s4, $0x4;
	[sflag:s13] =	ssyncset.done $0x0  }
0x1d: {  	s19 =	simm.s32 $0x100;
	s14 =	sadd.s32 s6, s18;
	[sflag:s13] =	ssyncadd.s32 $0xFFFFFFF0  }
0x1e: {  	[tilespmem:s19], [sflag:$0x3] =	stream.linear.gather [hbm4b:s14+s16], $0x800, $0x38;
	[tilespmem:$0xC900] =	vst v63  }
0x1f: {  	_ =	swait.ge [sflag:s13], $0x800  }
0x20: {  	[sflag:s13] =	ssyncset.done $0x0  }
0x21: {  	[sflag:s13] =	ssyncadd.s32 $0xFFFFF800  }
0x22: {  	v3 =	vld [tilespmem:$0x0];
	_ =	sdelay $0x4  }
0x23: {  	v4 =	vshll.u32 v3, $0x3  }
0x24: {  	v3 =	vand.u32 $0x7, v3;
	v4 =	vand.u32 $0xFFFFFFC0, v4  }
0x25: {  	v3 =	vor.u32 v3, v4  }
0x26: {  	v4 =	vperm.xlane v3, v0;
	_ =	sdelay $0x1  }
0x27: {  	v4 =	vadd.s32 v1, v4;
	_ =	sdelay $0x3  }
0x28: {  	s17 =	simm.s32 $0x900  }
0x29: {  	[tilespmem:s17], [sflag:$0x1] =	stream.indirect_vreg.gather [hbm4b:s1+s16], $0x80, v4, vm0, $0xb8;
	[tilespmem:$0xC900] =	vst v63  }
0x2a: {  	s18 =	simm.s32 $0x1100;
	v3 =	vperm.xlane v3, v2  }
0x2b: {  	[tilespmem:s18], [sflag:$0x1] =	stream.indirect_vreg.gather [hbm4b:s9+s16], $0x80, v4, vm0, $0xb8;
	[tilespmem:$0xC900] =	vst v63  }
0x2c: {  	s19 =	simm.s32 $0x1900;
	v3 =	vadd.s32 v1, v3  }
0x2d: {  	[tilespmem:s19], [sflag:$0x1] =	stream.indirect_vreg.gather [hbm4b:s10+s16], $0x80, v4, vm0, $0xb8;
	[tilespmem:$0xC900] =	vst v63  }
0x2e: {  	s15 =	simm.s32 $0x2100  }
0x2f: {  	[tilespmem:s15], [sflag:$0x1] =	stream.indirect_vreg.gather [hbm4b:s11+s16], $0x80, v4, vm0, $0xb8;
	[tilespmem:$0xC900] =	vst v63  }
0x30: {  	_ = 	snop  }
0x31: {  	[tilespmem:s20], [sflag:$0x1] =	stream.indirect_vreg.gather [hbm4b:s1+s16], $0x80, v3, vm0, $0xb8;
	[tilespmem:$0xC900] =	vst v63  }
0x32: {  	_ = 	snop  }
0x33: {  	[tilespmem:s21], [sflag:$0x1] =	stream.indirect_vreg.gather [hbm4b:s9+s16], $0x80, v3, vm0, $0xb8;
	[tilespmem:$0xC900] =	vst v63  }
0x34: {  	_ = 	snop  }
0x35: {  	[tilespmem:s22], [sflag:$0x1] =	stream.indirect_vreg.gather [hbm4b:s10+s16], $0x80, v3, vm0, $0xb8;
	[tilespmem:$0xC900] =	vst v63  }
0x36: {  	_ = 	snop  }
0x37: {  	[tilespmem:s23], [sflag:$0x1] =	stream.indirect_vreg.gather [hbm4b:s11+s16], $0x80, v3, vm0, $0xb8;
	[tilespmem:$0xC900] =	vst v63  }
0x38: {  	v3 =	vld [tilespmem:$0x80];
	_ =	sdelay $0x4  }
0x39: {  	v4 =	vshll.u32 v3, $0x3  }
0x3a: {  	v3 =	vand.u32 $0x7, v3;
	v4 =	vand.u32 $0xFFFFFFC0, v4  }
0x3b: {  	v3 =	vor.u32 v3, v4  }
0x3c: {  	v4 =	vperm.xlane v3, v0;
	_ =	sdelay $0x1  }
0x3d: {  	v4 =	vadd.s32 v1, v4;
	_ =	sdelay $0x4  }
0x3e: {  	[tilespmem:s24], [sflag:$0x2] =	stream.indirect_vreg.gather [hbm4b:s1+s16], $0x80, v4, vm0, $0xb8;
	[tilespmem:$0xC900] =	vst v63  }
0x3f: {  	v3 =	vperm.xlane v3, v2  }
0x40: {  	[tilespmem:s25], [sflag:$0x2] =	stream.indirect_vreg.gather [hbm4b:s9+s16], $0x80, v4, vm0, $0xb8;
	[tilespmem:$0xC900] =	vst v63  }
0x41: {  	v3 =	vadd.s32 v1, v3  }
0x42: {  	[tilespmem:s26], [sflag:$0x2] =	stream.indirect_vreg.gather [hbm4b:s10+s16], $0x80, v4, vm0, $0xb8;
	[tilespmem:$0xC900] =	vst v63  }
0x43: {  	_ = 	snop  }
0x44: {  	[tilespmem:s28], [sflag:$0x2] =	stream.indirect_vreg.gather [hbm4b:s11+s16], $0x80, v4, vm0, $0xb8;
	[tilespmem:$0xC900] =	vst v63  }
0x45: {  	_ = 	snop  }
0x46: {  	[tilespmem:s29], [sflag:$0x2] =	stream.indirect_vreg.gather [hbm4b:s1+s16], $0x80, v3, vm0, $0xb8;
	[tilespmem:$0xC900] =	vst v63  }
0x47: {  	_ = 	snop  }
0x48: {  	[tilespmem:s30], [sflag:$0x2] =	stream.indirect_vreg.gather [hbm4b:s9+s16], $0x80, v3, vm0, $0xb8;
	[tilespmem:$0xC900] =	vst v63  }
0x49: {  	_ = 	snop  }
0x4a: {  	[tilespmem:s31], [sflag:$0x2] =	stream.indirect_vreg.gather [hbm4b:s10+s16], $0x80, v3, vm0, $0xb8;
	[tilespmem:$0xC900] =	vst v63  }
0x4b: {  	_ = 	snop  }
0x4c: {  	[tilespmem:s0], [sflag:$0x2] =	stream.indirect_vreg.gather [hbm4b:s11+s16], $0x80, v3, vm0, $0xb8;
	[tilespmem:$0xC900] =	vst v63  }
0x4d: {  	_ =	swait.ge [sflag:s5], $0x4000  }
0x4e: {  	[sflag:s5] =	ssyncset.done $0x0  }
0x4f: {  	[sflag:s5] =	ssyncadd.s32 $0xFFFFC000  }
0x50: {  	_ =	swait.ge [sflag:s12], $0x4000  }
0x51: {  	[sflag:s12] =	ssyncset.done $0x0  }
0x52: {  	[sflag:s12] =	ssyncadd.s32 $0xFFFFC000  }
0x53: {  	s17 =	sand.u32 $0x70, s16;
	s18 =	sand.u32 $0x1C00, s16;
	v5 =	vld [tilespmem:$0x100]  }
0x54: {  	s14 =	sor.u32 s17, s18  }
0x55: {  	v8 =	vld [tilespmem:s14+$0x900];
	_ =	sdelay $0x1  }
0x56: {  	v11 =	vld [tilespmem:s14+$0x4900]  }
0x57: {  	s19 =	simm.s32 $0x10;
	s16 =	simm.s32 $0x80;
	v3 =	vbroadcast v5, $0x1  }
0x58: {  	s15 =	sand.u32 $0x70, s19;
	s17 =	sand.u32 $0x1C00, s16;
	v4 =	vbroadcast v5, $0x0  }
0x59: {  	s15 =	sor.u32 s15, s17;
	v6 =	vbroadcast v5, $0x2;
	v9 =	vmul.f32 v8, v3  }
0x5a: {  	v7 =	vld [tilespmem:s15+$0x900];
	v5 =	vbroadcast v5, $0x3  }
0x5b: {  	v10 =	vmul.f32 v11, v6;
	v11 =	vmul.f32 v11, v8;
	v9 =	vadd.f32 v9, v4  }
0x5c: {  	s17 =	simm.s32 $0x20;
	v8 =	vld [tilespmem:s15+$0x4900]  }
.LBB2_3:
0x5d: {  	s18 =	sand.u32 $0x70, s17;
	s16 =	sadd.s32 $0x80, s16;
	v9 =	vadd.f32 v10, v9;
	v10 =	vmul.f32 v11, v5;
	p0 =	sne.s32 s17, $0x3F0  }
.Ltmp0:
0x5e: {  	s17 =	sadd.s32 $0x10, s17;
	s19 =	sand.u32 $0x1C00, s16;
	(pc) =	sbr.rel @p0 .LBB2_3-.Ltmp0, $4  }
0x5f: {  	s18 =	sor.u32 s18, s19;
	v11 =	vmul.f32 v7, v3;
	v12 =	vadd.f32 v10, v9;
	v13 =	vmov v7  }
0x60: {  	v7 =	vld [tilespmem:s18+$0x900]  }
0x61: {  	v9 =	vadd.f32 v11, v4;
	v10 =	vmul.f32 v8, v6;
	v11 =	vmul.f32 v8, v13;
	[tilespmem:s14+$0x8900] =	vst v12;
	s14 =	smov.u32 s15;
	s15 =	smov.u32 s18  }
0x62: {  	v8 =	vld [tilespmem:s15+$0x4900]  }
0x63: {  	_ =	sdelay $0x1  }
0x64: {  	v3 =	vmul.f32 v7, v3;
	_ =	sdelay $0x1  }
0x65: {  	v3 =	vadd.f32 v3, v4;
	v4 =	vmul.f32 v8, v6;
	v6 =	vmul.f32 v8, v7  }
0x66: {  	v7 =	vadd.f32 v10, v9;
	v8 =	vmul.f32 v11, v5  }
0x67: {  	v3 =	vadd.f32 v4, v3;
	v4 =	vmul.f32 v6, v5  }
0x68: {  	v5 =	vadd.f32 v8, v7  }
0x69: {  	v3 =	vadd.f32 v4, v3  }
0x6a: {  	[tilespmem:s14+$0x8900] =	vst v5  }
0x6b: {  	s17 =	simm.s32 $0x0;
	[tilespmem:s15+$0x8900] =	vst v3  }
0x6c: {  	s18 =	sand.u32 $0x70, s17;
	s14 =	sand.u32 $0x1C00, s17;
	v5 =	vld [tilespmem:$0x180]  }
0x6d: {  	s14 =	sor.u32 s14, s18  }
0x6e: {  	v8 =	vld [tilespmem:s14+$0x980];
	_ =	sdelay $0x1  }
0x6f: {  	v11 =	vld [tilespmem:s14+$0x4980]  }
0x70: {  	s19 =	simm.s32 $0x10;
	s16 =	simm.s32 $0x80;
	v3 =	vbroadcast v5, $0x1  }
0x71: {  	s17 =	sand.u32 $0x1C00, s16;
	s15 =	sand.u32 $0x70, s19;
	v4 =	vbroadcast v5, $0x0  }
0x72: {  	s15 =	sor.u32 s17, s15;
	v6 =	vbroadcast v5, $0x2;
	v9 =	vmul.f32 v8, v3  }
0x73: {  	v7 =	vld [tilespmem:s15+$0x980];
	v5 =	vbroadcast v5, $0x3  }
0x74: {  	v10 =	vmul.f32 v11, v6;
	v11 =	vmul.f32 v11, v8;
	v9 =	vadd.f32 v9, v4  }
0x75: {  	s17 =	simm.s32 $0x20;
	v8 =	vld [tilespmem:s15+$0x4980]  }
.LBB2_5:
0x76: {  	s18 =	sand.u32 $0x70, s17;
	s16 =	sadd.s32 $0x80, s16;
	v9 =	vadd.f32 v10, v9;
	v10 =	vmul.f32 v11, v5;
	p0 =	sne.s32 s17, $0x3F0  }
.Ltmp1:
0x77: {  	s17 =	sadd.s32 $0x10, s17;
	s19 =	sand.u32 $0x1C00, s16;
	(pc) =	sbr.rel @p0 .LBB2_5-.Ltmp1, $4  }
0x78: {  	s18 =	sor.u32 s19, s18;
	v11 =	vmul.f32 v7, v3;
	v12 =	vadd.f32 v10, v9;
	v13 =	vmov v7  }
0x79: {  	v7 =	vld [tilespmem:s18+$0x980]  }
0x7a: {  	v9 =	vadd.f32 v11, v4;
	v10 =	vmul.f32 v8, v6;
	v11 =	vmul.f32 v8, v13;
	[tilespmem:s14+$0x8980] =	vst v12;
	s14 =	smov.u32 s15;
	s15 =	smov.u32 s18  }
0x7b: {  	v8 =	vld [tilespmem:s15+$0x4980]  }
0x7c: {  	_ =	sdelay $0x1  }
0x7d: {  	v3 =	vmul.f32 v7, v3;
	_ =	sdelay $0x1  }
0x7e: {  	v3 =	vadd.f32 v3, v4;
	v4 =	vmul.f32 v8, v6;
	v6 =	vmul.f32 v8, v7  }
0x7f: {  	v7 =	vadd.f32 v10, v9;
	v8 =	vmul.f32 v11, v5  }
0x80: {  	v3 =	vadd.f32 v4, v3;
	v4 =	vmul.f32 v6, v5  }
0x81: {  	v5 =	vadd.f32 v8, v7  }
0x82: {  	v3 =	vadd.f32 v4, v3  }
0x83: {  	[tilespmem:s14+$0x8980] =	vst v5  }
0x84: {  	s17 =	simm.s32 $0x0;
	[tilespmem:s15+$0x8980] =	vst v3  }
0x85: {  	s18 =	sand.u32 $0x70, s17;
	s14 =	sand.u32 $0x1C00, s17;
	v5 =	vld [tilespmem:$0x200]  }
0x86: {  	s14 =	sor.u32 s14, s18  }
0x87: {  	v8 =	vld [tilespmem:s14+$0xA00];
	_ =	sdelay $0x1  }
0x88: {  	v11 =	vld [tilespmem:s14+$0x4A00]  }
0x89: {  	s19 =	simm.s32 $0x10;
	s16 =	simm.s32 $0x80;
	v3 =	vbroadcast v5, $0x1  }
0x8a: {  	s17 =	sand.u32 $0x1C00, s16;
	s15 =	sand.u32 $0x70, s19;
	v4 =	vbroadcast v5, $0x0  }
0x8b: {  	s15 =	sor.u32 s17, s15;
	v6 =	vbroadcast v5, $0x2;
	v9 =	vmul.f32 v8, v3  }
0x8c: {  	v7 =	vld [tilespmem:s15+$0xA00];
	v5 =	vbroadcast v5, $0x3  }
0x8d: {  	v10 =	vmul.f32 v11, v6;
	v11 =	vmul.f32 v11, v8;
	v9 =	vadd.f32 v9, v4  }
0x8e: {  	s17 =	simm.s32 $0x20;
	v8 =	vld [tilespmem:s15+$0x4A00]  }
.LBB2_7:
0x8f: {  	s18 =	sand.u32 $0x70, s17;
	s16 =	sadd.s32 $0x80, s16;
	v9 =	vadd.f32 v10, v9;
	v10 =	vmul.f32 v11, v5;
	p0 =	sne.s32 s17, $0x3F0  }
.Ltmp2:
0x90: {  	s17 =	sadd.s32 $0x10, s17;
	s19 =	sand.u32 $0x1C00, s16;
	(pc) =	sbr.rel @p0 .LBB2_7-.Ltmp2, $4  }
0x91: {  	s18 =	sor.u32 s19, s18;
	v11 =	vmul.f32 v7, v3;
	v12 =	vadd.f32 v10, v9;
	v13 =	vmov v7  }
0x92: {  	v7 =	vld [tilespmem:s18+$0xA00]  }
0x93: {  	v9 =	vadd.f32 v11, v4;
	v10 =	vmul.f32 v8, v6;
	v11 =	vmul.f32 v8, v13;
	[tilespmem:s14+$0x8A00] =	vst v12;
	s14 =	smov.u32 s15;
	s15 =	smov.u32 s18  }
0x94: {  	v8 =	vld [tilespmem:s15+$0x4A00]  }
0x95: {  	_ =	sdelay $0x1  }
0x96: {  	v3 =	vmul.f32 v7, v3;
	_ =	sdelay $0x1  }
0x97: {  	v3 =	vadd.f32 v3, v4;
	v4 =	vmul.f32 v8, v6;
	v6 =	vmul.f32 v8, v7  }
0x98: {  	v7 =	vadd.f32 v10, v9;
	v8 =	vmul.f32 v11, v5  }
0x99: {  	v3 =	vadd.f32 v4, v3;
	v4 =	vmul.f32 v6, v5  }
0x9a: {  	v5 =	vadd.f32 v8, v7  }
0x9b: {  	v3 =	vadd.f32 v4, v3  }
0x9c: {  	[tilespmem:s14+$0x8A00] =	vst v5  }
0x9d: {  	s17 =	simm.s32 $0x0;
	[tilespmem:s15+$0x8A00] =	vst v3  }
0x9e: {  	s18 =	sand.u32 $0x70, s17;
	s14 =	sand.u32 $0x1C00, s17;
	v5 =	vld [tilespmem:$0x280]  }
0x9f: {  	s14 =	sor.u32 s14, s18  }
0xa0: {  	v8 =	vld [tilespmem:s14+$0xA80];
	_ =	sdelay $0x1  }
0xa1: {  	v11 =	vld [tilespmem:s14+$0x4A80]  }
0xa2: {  	s19 =	simm.s32 $0x10;
	s16 =	simm.s32 $0x80;
	v3 =	vbroadcast v5, $0x1  }
0xa3: {  	s17 =	sand.u32 $0x1C00, s16;
	s15 =	sand.u32 $0x70, s19;
	v4 =	vbroadcast v5, $0x0  }
0xa4: {  	s15 =	sor.u32 s17, s15;
	v6 =	vbroadcast v5, $0x2;
	v9 =	vmul.f32 v8, v3  }
0xa5: {  	v7 =	vld [tilespmem:s15+$0xA80];
	v5 =	vbroadcast v5, $0x3  }
0xa6: {  	v10 =	vmul.f32 v11, v6;
	v11 =	vmul.f32 v11, v8;
	v9 =	vadd.f32 v9, v4  }
0xa7: {  	s17 =	simm.s32 $0x20;
	v8 =	vld [tilespmem:s15+$0x4A80]  }
.LBB2_9:
0xa8: {  	s18 =	sand.u32 $0x70, s17;
	s16 =	sadd.s32 $0x80, s16;
	v9 =	vadd.f32 v10, v9;
	v10 =	vmul.f32 v11, v5;
	p0 =	sne.s32 s17, $0x3F0  }
.Ltmp3:
0xa9: {  	s17 =	sadd.s32 $0x10, s17;
	s19 =	sand.u32 $0x1C00, s16;
	(pc) =	sbr.rel @p0 .LBB2_9-.Ltmp3, $4  }
0xaa: {  	s18 =	sor.u32 s19, s18;
	v11 =	vmul.f32 v7, v3;
	v12 =	vadd.f32 v10, v9;
	v13 =	vmov v7  }
0xab: {  	v7 =	vld [tilespmem:s18+$0xA80]  }
0xac: {  	v9 =	vadd.f32 v11, v4;
	v10 =	vmul.f32 v8, v6;
	v11 =	vmul.f32 v8, v13;
	[tilespmem:s14+$0x8A80] =	vst v12;
	s14 =	smov.u32 s15;
	s15 =	smov.u32 s18  }
0xad: {  	v8 =	vld [tilespmem:s15+$0x4A80]  }
0xae: {  	_ =	sdelay $0x1  }
0xaf: {  	v3 =	vmul.f32 v7, v3;
	_ =	sdelay $0x1  }
0xb0: {  	v3 =	vadd.f32 v3, v4;
	v4 =	vmul.f32 v8, v6;
	v6 =	vmul.f32 v8, v7  }
0xb1: {  	v7 =	vadd.f32 v10, v9;
	v8 =	vmul.f32 v11, v5  }
0xb2: {  	v3 =	vadd.f32 v4, v3;
	v4 =	vmul.f32 v6, v5  }
0xb3: {  	v5 =	vadd.f32 v8, v7  }
0xb4: {  	v3 =	vadd.f32 v4, v3  }
0xb5: {  	[tilespmem:s14+$0x8A80] =	vst v5  }
0xb6: {  	s17 =	simm.s32 $0x0;
	[tilespmem:s15+$0x8A80] =	vst v3  }
0xb7: {  	s18 =	sand.u32 $0x70, s17;
	s14 =	sand.u32 $0x1C00, s17;
	v5 =	vld [tilespmem:$0x300]  }
0xb8: {  	s14 =	sor.u32 s14, s18  }
0xb9: {  	v8 =	vld [tilespmem:s14+$0xB00];
	_ =	sdelay $0x1  }
0xba: {  	v11 =	vld [tilespmem:s14+$0x4B00]  }
0xbb: {  	s19 =	simm.s32 $0x10;
	s16 =	simm.s32 $0x80;
	v3 =	vbroadcast v5, $0x1  }
0xbc: {  	s17 =	sand.u32 $0x1C00, s16;
	s15 =	sand.u32 $0x70, s19;
	v4 =	vbroadcast v5, $0x0  }
0xbd: {  	s15 =	sor.u32 s17, s15;
	v6 =	vbroadcast v5, $0x2;
	v9 =	vmul.f32 v8, v3  }
0xbe: {  	v7 =	vld [tilespmem:s15+$0xB00];
	v5 =	vbroadcast v5, $0x3  }
0xbf: {  	v10 =	vmul.f32 v11, v6;
	v11 =	vmul.f32 v11, v8;
	v9 =	vadd.f32 v9, v4  }
0xc0: {  	s17 =	simm.s32 $0x20;
	v8 =	vld [tilespmem:s15+$0x4B00]  }
.LBB2_11:
0xc1: {  	s18 =	sand.u32 $0x70, s17;
	s16 =	sadd.s32 $0x80, s16;
	v9 =	vadd.f32 v10, v9;
	v10 =	vmul.f32 v11, v5;
	p0 =	sne.s32 s17, $0x3F0  }
.Ltmp4:
0xc2: {  	s17 =	sadd.s32 $0x10, s17;
	s19 =	sand.u32 $0x1C00, s16;
	(pc) =	sbr.rel @p0 .LBB2_11-.Ltmp4, $4  }
0xc3: {  	s18 =	sor.u32 s19, s18;
	v11 =	vmul.f32 v7, v3;
	v12 =	vadd.f32 v10, v9;
	v13 =	vmov v7  }
0xc4: {  	v7 =	vld [tilespmem:s18+$0xB00]  }
0xc5: {  	v9 =	vadd.f32 v11, v4;
	v10 =	vmul.f32 v8, v6;
	v11 =	vmul.f32 v8, v13;
	[tilespmem:s14+$0x8B00] =	vst v12;
	s14 =	smov.u32 s15;
	s15 =	smov.u32 s18  }
0xc6: {  	v8 =	vld [tilespmem:s15+$0x4B00]  }
0xc7: {  	_ =	sdelay $0x1  }
0xc8: {  	v3 =	vmul.f32 v7, v3;
	_ =	sdelay $0x1  }
0xc9: {  	v3 =	vadd.f32 v3, v4;
	v4 =	vmul.f32 v8, v6;
	v6 =	vmul.f32 v8, v7  }
0xca: {  	v7 =	vadd.f32 v10, v9;
	v8 =	vmul.f32 v11, v5  }
0xcb: {  	v3 =	vadd.f32 v4, v3;
	v4 =	vmul.f32 v6, v5  }
0xcc: {  	v5 =	vadd.f32 v8, v7  }
0xcd: {  	v3 =	vadd.f32 v4, v3  }
0xce: {  	[tilespmem:s14+$0x8B00] =	vst v5  }
0xcf: {  	s17 =	simm.s32 $0x0;
	[tilespmem:s15+$0x8B00] =	vst v3  }
0xd0: {  	s18 =	sand.u32 $0x70, s17;
	s14 =	sand.u32 $0x1C00, s17;
	v5 =	vld [tilespmem:$0x380]  }
0xd1: {  	s14 =	sor.u32 s14, s18  }
0xd2: {  	v8 =	vld [tilespmem:s14+$0xB80];
	_ =	sdelay $0x1  }
0xd3: {  	v11 =	vld [tilespmem:s14+$0x4B80]  }
0xd4: {  	s19 =	simm.s32 $0x10;
	s16 =	simm.s32 $0x80;
	v3 =	vbroadcast v5, $0x1  }
0xd5: {  	s17 =	sand.u32 $0x1C00, s16;
	s15 =	sand.u32 $0x70, s19;
	v4 =	vbroadcast v5, $0x0  }
0xd6: {  	s15 =	sor.u32 s17, s15;
	v6 =	vbroadcast v5, $0x2;
	v9 =	vmul.f32 v8, v3  }
0xd7: {  	v7 =	vld [tilespmem:s15+$0xB80];
	v5 =	vbroadcast v5, $0x3  }
0xd8: {  	v10 =	vmul.f32 v11, v6;
	v11 =	vmul.f32 v11, v8;
	v9 =	vadd.f32 v9, v4  }
0xd9: {  	s17 =	simm.s32 $0x20;
	v8 =	vld [tilespmem:s15+$0x4B80]  }
.LBB2_13:
0xda: {  	s18 =	sand.u32 $0x70, s17;
	s16 =	sadd.s32 $0x80, s16;
	v9 =	vadd.f32 v10, v9;
	v10 =	vmul.f32 v11, v5;
	p0 =	sne.s32 s17, $0x3F0  }
.Ltmp5:
0xdb: {  	s17 =	sadd.s32 $0x10, s17;
	s19 =	sand.u32 $0x1C00, s16;
	(pc) =	sbr.rel @p0 .LBB2_13-.Ltmp5, $4  }
0xdc: {  	s18 =	sor.u32 s19, s18;
	v11 =	vmul.f32 v7, v3;
	v12 =	vadd.f32 v10, v9;
	v13 =	vmov v7  }
0xdd: {  	v7 =	vld [tilespmem:s18+$0xB80]  }
0xde: {  	v9 =	vadd.f32 v11, v4;
	v10 =	vmul.f32 v8, v6;
	v11 =	vmul.f32 v8, v13;
	[tilespmem:s14+$0x8B80] =	vst v12;
	s14 =	smov.u32 s15;
	s15 =	smov.u32 s18  }
0xdf: {  	v8 =	vld [tilespmem:s15+$0x4B80]  }
0xe0: {  	_ =	sdelay $0x1  }
0xe1: {  	v3 =	vmul.f32 v7, v3;
	_ =	sdelay $0x1  }
0xe2: {  	v3 =	vadd.f32 v3, v4;
	v4 =	vmul.f32 v8, v6;
	v6 =	vmul.f32 v8, v7  }
0xe3: {  	v7 =	vadd.f32 v10, v9;
	v8 =	vmul.f32 v11, v5  }
0xe4: {  	v3 =	vadd.f32 v4, v3;
	v4 =	vmul.f32 v6, v5  }
0xe5: {  	v5 =	vadd.f32 v8, v7  }
0xe6: {  	v3 =	vadd.f32 v4, v3  }
0xe7: {  	[tilespmem:s14+$0x8B80] =	vst v5  }
0xe8: {  	s17 =	simm.s32 $0x0;
	[tilespmem:s15+$0x8B80] =	vst v3  }
0xe9: {  	s18 =	sand.u32 $0x70, s17;
	s14 =	sand.u32 $0x1C00, s17;
	v5 =	vld [tilespmem:$0x400]  }
0xea: {  	s14 =	sor.u32 s14, s18  }
0xeb: {  	v8 =	vld [tilespmem:s14+$0xC00];
	_ =	sdelay $0x1  }
0xec: {  	v11 =	vld [tilespmem:s14+$0x4C00]  }
0xed: {  	s19 =	simm.s32 $0x10;
	s16 =	simm.s32 $0x80;
	v3 =	vbroadcast v5, $0x1  }
0xee: {  	s17 =	sand.u32 $0x1C00, s16;
	s15 =	sand.u32 $0x70, s19;
	v4 =	vbroadcast v5, $0x0  }
0xef: {  	s15 =	sor.u32 s17, s15;
	v6 =	vbroadcast v5, $0x2;
	v9 =	vmul.f32 v8, v3  }
0xf0: {  	v7 =	vld [tilespmem:s15+$0xC00];
	v5 =	vbroadcast v5, $0x3  }
0xf1: {  	v10 =	vmul.f32 v11, v6;
	v11 =	vmul.f32 v11, v8;
	v9 =	vadd.f32 v9, v4  }
0xf2: {  	s17 =	simm.s32 $0x20;
	v8 =	vld [tilespmem:s15+$0x4C00]  }
.LBB2_15:
0xf3: {  	s18 =	sand.u32 $0x70, s17;
	s16 =	sadd.s32 $0x80, s16;
	v9 =	vadd.f32 v10, v9;
	v10 =	vmul.f32 v11, v5;
	p0 =	sne.s32 s17, $0x3F0  }
.Ltmp6:
0xf4: {  	s17 =	sadd.s32 $0x10, s17;
	s19 =	sand.u32 $0x1C00, s16;
	(pc) =	sbr.rel @p0 .LBB2_15-.Ltmp6, $4  }
0xf5: {  	s18 =	sor.u32 s19, s18;
	v11 =	vmul.f32 v7, v3;
	v12 =	vadd.f32 v10, v9;
	v13 =	vmov v7  }
0xf6: {  	v7 =	vld [tilespmem:s18+$0xC00]  }
0xf7: {  	v9 =	vadd.f32 v11, v4;
	v10 =	vmul.f32 v8, v6;
	v11 =	vmul.f32 v8, v13;
	[tilespmem:s14+$0x8C00] =	vst v12;
	s14 =	smov.u32 s15;
	s15 =	smov.u32 s18  }
0xf8: {  	v8 =	vld [tilespmem:s15+$0x4C00]  }
0xf9: {  	_ =	sdelay $0x1  }
0xfa: {  	v3 =	vmul.f32 v7, v3;
	_ =	sdelay $0x1  }
0xfb: {  	v3 =	vadd.f32 v3, v4;
	v4 =	vmul.f32 v8, v6;
	v6 =	vmul.f32 v8, v7  }
0xfc: {  	v7 =	vadd.f32 v10, v9;
	v8 =	vmul.f32 v11, v5  }
0xfd: {  	v3 =	vadd.f32 v4, v3;
	v4 =	vmul.f32 v6, v5  }
0xfe: {  	v5 =	vadd.f32 v8, v7  }
0xff: {  	v3 =	vadd.f32 v4, v3  }
0x100: {  	[tilespmem:s14+$0x8C00] =	vst v5  }
0x101: {  	s18 =	simm.s32 $0x0;
	[tilespmem:s15+$0x8C00] =	vst v3  }
0x102: {  	s14 =	sor.u32 s18, s18;
	v6 =	vld [tilespmem:$0x480]  }
0x103: {  	s14 =	sor.u32 $0x380, s14  }
0x104: {  	v7 =	vld [tilespmem:s14+$0x900]  }
0x105: {  	v8 =	vld [tilespmem:s14+$0x4900];
	_ =	sdelay $0x1  }
0x106: {  	s19 =	simm.s32 $0x10;
	s16 =	simm.s32 $0x80;
	v3 =	vbroadcast v6, $0x1  }
0x107: {  	s15 =	sor.u32 s16, s19;
	v4 =	vbroadcast v6, $0x0  }
0x108: {  	s15 =	sor.u32 $0x380, s15;
	v5 =	vbroadcast v6, $0x2;
	v9 =	vmul.f32 v7, v3  }
0x109: {  	v11 =	vmul.f32 v8, v7;
	v7 =	vld [tilespmem:s15+$0x900]  }
0x10a: {  	v6 =	vbroadcast v6, $0x3;
	v10 =	vmul.f32 v8, v5;
	v9 =	vadd.f32 v9, v4  }
0x10b: {  	v8 =	vld [tilespmem:s15+$0x4900]  }
0x10c: {  	s17 =	simm.s32 $0x100;
	s16 =	simm.s32 $0x20;
	v9 =	vadd.f32 v10, v9;
	v10 =	vmul.f32 v11, v6  }
.LBB2_17:
0x10d: {  	s18 =	sor.u32 s17, s16;
	p0 =	sne.s32 s16, $0x3F0;
	s16 =	sadd.s32 $0x10, s16  }
.Ltmp7:
0x10e: {  	s18 =	sor.u32 $0x380, s18;
	v11 =	vmul.f32 v7, v3;
	v9 =	vadd.f32 v10, v9;
	v10 =	vmov v7;
	(pc) =	sbr.rel @p0 .LBB2_17-.Ltmp7, $4  }
0x10f: {  	v7 =	vld [tilespmem:s18+$0x900]  }
0x110: {  	v11 =	vadd.f32 v11, v4;
	v12 =	vmul.f32 v8, v5;
	v10 =	vmul.f32 v8, v10;
	[tilespmem:s14+$0x8900] =	vst v9;
	s14 =	smov.u32 s15;
	s15 =	smov.u32 s18  }
0x111: {  	v8 =	vld [tilespmem:s15+$0x4900]  }
0x112: {  	s17 =	sadd.s32 $0x80, s17;
	v9 =	vadd.f32 v12, v11;
	v10 =	vmul.f32 v10, v6  }
0x113: {  	_ = 	snop  }
0x114: {  	v3 =	vmul.f32 v7, v3;
	_ =	sdelay $0x1  }
0x115: {  	v3 =	vadd.f32 v3, v4;
	v4 =	vmul.f32 v8, v5;
	v5 =	vmul.f32 v8, v7;
	_ =	sdelay $0x1  }
0x116: {  	v3 =	vadd.f32 v4, v3;
	v4 =	vmul.f32 v5, v6  }
0x117: {  	v5 =	vadd.f32 v10, v9  }
0x118: {  	v3 =	vadd.f32 v4, v3  }
0x119: {  	[tilespmem:s14+$0x8900] =	vst v5  }
0x11a: {  	s17 =	simm.s32 $0x0;
	[tilespmem:s15+$0x8900] =	vst v3  }
0x11b: {  	s18 =	sand.u32 $0x70, s17;
	s14 =	sand.u32 $0x1C00, s17;
	v5 =	vld [tilespmem:$0x500]  }
0x11c: {  	s14 =	sor.u32 s14, s18  }
0x11d: {  	v8 =	vld [tilespmem:s14+$0x2900];
	_ =	sdelay $0x1  }
0x11e: {  	v11 =	vld [tilespmem:s14+$0x6900]  }
0x11f: {  	s19 =	simm.s32 $0x10;
	s16 =	simm.s32 $0x80;
	v3 =	vbroadcast v5, $0x1  }
0x120: {  	s17 =	sand.u32 $0x1C00, s16;
	s15 =	sand.u32 $0x70, s19;
	v4 =	vbroadcast v5, $0x0  }
0x121: {  	s15 =	sor.u32 s17, s15;
	v6 =	vbroadcast v5, $0x2;
	v9 =	vmul.f32 v8, v3  }
0x122: {  	v7 =	vld [tilespmem:s15+$0x2900];
	v5 =	vbroadcast v5, $0x3  }
0x123: {  	v10 =	vmul.f32 v11, v6;
	v11 =	vmul.f32 v11, v8;
	v9 =	vadd.f32 v9, v4  }
0x124: {  	s17 =	simm.s32 $0x20;
	v8 =	vld [tilespmem:s15+$0x6900]  }
.LBB2_19:
0x125: {  	s18 =	sand.u32 $0x70, s17;
	s16 =	sadd.s32 $0x80, s16;
	v9 =	vadd.f32 v10, v9;
	v10 =	vmul.f32 v11, v5;
	p0 =	sne.s32 s17, $0x3F0  }
.Ltmp8:
0x126: {  	s17 =	sadd.s32 $0x10, s17;
	s19 =	sand.u32 $0x1C00, s16;
	(pc) =	sbr.rel @p0 .LBB2_19-.Ltmp8, $4  }
0x127: {  	s18 =	sor.u32 s19, s18;
	v11 =	vmul.f32 v7, v3;
	v12 =	vadd.f32 v10, v9;
	v13 =	vmov v7  }
0x128: {  	v7 =	vld [tilespmem:s18+$0x2900]  }
0x129: {  	v9 =	vadd.f32 v11, v4;
	v10 =	vmul.f32 v8, v6;
	v11 =	vmul.f32 v8, v13;
	[tilespmem:s14+$0xA900] =	vst v12;
	s14 =	smov.u32 s15;
	s15 =	smov.u32 s18  }
0x12a: {  	v8 =	vld [tilespmem:s15+$0x6900]  }
0x12b: {  	_ =	sdelay $0x1  }
0x12c: {  	v3 =	vmul.f32 v7, v3;
	_ =	sdelay $0x1  }
0x12d: {  	v3 =	vadd.f32 v3, v4;
	v4 =	vmul.f32 v8, v6;
	v6 =	vmul.f32 v8, v7  }
0x12e: {  	v7 =	vadd.f32 v10, v9;
	v8 =	vmul.f32 v11, v5  }
0x12f: {  	v3 =	vadd.f32 v4, v3;
	v4 =	vmul.f32 v6, v5  }
0x130: {  	v5 =	vadd.f32 v8, v7  }
0x131: {  	v3 =	vadd.f32 v4, v3  }
0x132: {  	[tilespmem:s14+$0xA900] =	vst v5  }
0x133: {  	s17 =	simm.s32 $0x0;
	[tilespmem:s15+$0xA900] =	vst v3  }
0x134: {  	s18 =	sand.u32 $0x70, s17;
	s14 =	sand.u32 $0x1C00, s17;
	v5 =	vld [tilespmem:$0x580]  }
0x135: {  	s14 =	sor.u32 s14, s18  }
0x136: {  	v8 =	vld [tilespmem:s14+$0x2980];
	_ =	sdelay $0x1  }
0x137: {  	v11 =	vld [tilespmem:s14+$0x6980]  }
0x138: {  	s19 =	simm.s32 $0x10;
	s16 =	simm.s32 $0x80;
	v3 =	vbroadcast v5, $0x1  }
0x139: {  	s17 =	sand.u32 $0x1C00, s16;
	s15 =	sand.u32 $0x70, s19;
	v4 =	vbroadcast v5, $0x0  }
0x13a: {  	s15 =	sor.u32 s17, s15;
	v6 =	vbroadcast v5, $0x2;
	v9 =	vmul.f32 v8, v3  }
0x13b: {  	v7 =	vld [tilespmem:s15+$0x2980];
	v5 =	vbroadcast v5, $0x3  }
0x13c: {  	v10 =	vmul.f32 v11, v6;
	v11 =	vmul.f32 v11, v8;
	v9 =	vadd.f32 v9, v4  }
0x13d: {  	s17 =	simm.s32 $0x20;
	v8 =	vld [tilespmem:s15+$0x6980]  }
.LBB2_21:
0x13e: {  	s18 =	sand.u32 $0x70, s17;
	s16 =	sadd.s32 $0x80, s16;
	v9 =	vadd.f32 v10, v9;
	v10 =	vmul.f32 v11, v5;
	p0 =	sne.s32 s17, $0x3F0  }
.Ltmp9:
0x13f: {  	s17 =	sadd.s32 $0x10, s17;
	s19 =	sand.u32 $0x1C00, s16;
	(pc) =	sbr.rel @p0 .LBB2_21-.Ltmp9, $4  }
0x140: {  	s18 =	sor.u32 s19, s18;
	v11 =	vmul.f32 v7, v3;
	v12 =	vadd.f32 v10, v9;
	v13 =	vmov v7  }
0x141: {  	v7 =	vld [tilespmem:s18+$0x2980]  }
0x142: {  	v9 =	vadd.f32 v11, v4;
	v10 =	vmul.f32 v8, v6;
	v11 =	vmul.f32 v8, v13;
	[tilespmem:s14+$0xA980] =	vst v12;
	s14 =	smov.u32 s15;
	s15 =	smov.u32 s18  }
0x143: {  	v8 =	vld [tilespmem:s15+$0x6980]  }
0x144: {  	_ =	sdelay $0x1  }
0x145: {  	v3 =	vmul.f32 v7, v3;
	_ =	sdelay $0x1  }
0x146: {  	v3 =	vadd.f32 v3, v4;
	v4 =	vmul.f32 v8, v6;
	v6 =	vmul.f32 v8, v7  }
0x147: {  	v7 =	vadd.f32 v10, v9;
	v8 =	vmul.f32 v11, v5  }
0x148: {  	v3 =	vadd.f32 v4, v3;
	v4 =	vmul.f32 v6, v5  }
0x149: {  	v5 =	vadd.f32 v8, v7  }
0x14a: {  	v3 =	vadd.f32 v4, v3  }
0x14b: {  	[tilespmem:s14+$0xA980] =	vst v5  }
0x14c: {  	s17 =	simm.s32 $0x0;
	[tilespmem:s15+$0xA980] =	vst v3  }
0x14d: {  	s18 =	sand.u32 $0x70, s17;
	s14 =	sand.u32 $0x1C00, s17;
	v5 =	vld [tilespmem:$0x600]  }
0x14e: {  	s14 =	sor.u32 s14, s18  }
0x14f: {  	v8 =	vld [tilespmem:s14+$0x2A00];
	_ =	sdelay $0x1  }
0x150: {  	v11 =	vld [tilespmem:s14+$0x6A00]  }
0x151: {  	s19 =	simm.s32 $0x10;
	s16 =	simm.s32 $0x80;
	v3 =	vbroadcast v5, $0x1  }
0x152: {  	s17 =	sand.u32 $0x1C00, s16;
	s15 =	sand.u32 $0x70, s19;
	v4 =	vbroadcast v5, $0x0  }
0x153: {  	s15 =	sor.u32 s17, s15;
	v6 =	vbroadcast v5, $0x2;
	v9 =	vmul.f32 v8, v3  }
0x154: {  	v7 =	vld [tilespmem:s15+$0x2A00];
	v5 =	vbroadcast v5, $0x3  }
0x155: {  	v10 =	vmul.f32 v11, v6;
	v11 =	vmul.f32 v11, v8;
	v9 =	vadd.f32 v9, v4  }
0x156: {  	s17 =	simm.s32 $0x20;
	v8 =	vld [tilespmem:s15+$0x6A00]  }
.LBB2_23:
0x157: {  	s18 =	sand.u32 $0x70, s17;
	s16 =	sadd.s32 $0x80, s16;
	v9 =	vadd.f32 v10, v9;
	v10 =	vmul.f32 v11, v5;
	p0 =	sne.s32 s17, $0x3F0  }
.Ltmp10:
0x158: {  	s17 =	sadd.s32 $0x10, s17;
	s19 =	sand.u32 $0x1C00, s16;
	(pc) =	sbr.rel @p0 .LBB2_23-.Ltmp10, $4  }
0x159: {  	s18 =	sor.u32 s19, s18;
	v11 =	vmul.f32 v7, v3;
	v12 =	vadd.f32 v10, v9;
	v13 =	vmov v7  }
0x15a: {  	v7 =	vld [tilespmem:s18+$0x2A00]  }
0x15b: {  	v9 =	vadd.f32 v11, v4;
	v10 =	vmul.f32 v8, v6;
	v11 =	vmul.f32 v8, v13;
	[tilespmem:s14+$0xAA00] =	vst v12;
	s14 =	smov.u32 s15;
	s15 =	smov.u32 s18  }
0x15c: {  	v8 =	vld [tilespmem:s15+$0x6A00]  }
0x15d: {  	_ =	sdelay $0x1  }
0x15e: {  	v3 =	vmul.f32 v7, v3;
	_ =	sdelay $0x1  }
0x15f: {  	v3 =	vadd.f32 v3, v4;
	v4 =	vmul.f32 v8, v6;
	v6 =	vmul.f32 v8, v7  }
0x160: {  	v7 =	vadd.f32 v10, v9;
	v8 =	vmul.f32 v11, v5  }
0x161: {  	v3 =	vadd.f32 v4, v3;
	v4 =	vmul.f32 v6, v5  }
0x162: {  	v5 =	vadd.f32 v8, v7  }
0x163: {  	v3 =	vadd.f32 v4, v3  }
0x164: {  	[tilespmem:s14+$0xAA00] =	vst v5  }
0x165: {  	s17 =	simm.s32 $0x0;
	[tilespmem:s15+$0xAA00] =	vst v3  }
0x166: {  	s18 =	sand.u32 $0x70, s17;
	s14 =	sand.u32 $0x1C00, s17;
	v5 =	vld [tilespmem:$0x680]  }
0x167: {  	s14 =	sor.u32 s14, s18  }
0x168: {  	v8 =	vld [tilespmem:s14+$0x2A80];
	_ =	sdelay $0x1  }
0x169: {  	v11 =	vld [tilespmem:s14+$0x6A80]  }
0x16a: {  	s19 =	simm.s32 $0x10;
	s16 =	simm.s32 $0x80;
	v3 =	vbroadcast v5, $0x1  }
0x16b: {  	s17 =	sand.u32 $0x1C00, s16;
	s15 =	sand.u32 $0x70, s19;
	v4 =	vbroadcast v5, $0x0  }
0x16c: {  	s15 =	sor.u32 s17, s15;
	v6 =	vbroadcast v5, $0x2;
	v9 =	vmul.f32 v8, v3  }
0x16d: {  	v7 =	vld [tilespmem:s15+$0x2A80];
	v5 =	vbroadcast v5, $0x3  }
0x16e: {  	v10 =	vmul.f32 v11, v6;
	v11 =	vmul.f32 v11, v8;
	v9 =	vadd.f32 v9, v4  }
0x16f: {  	s17 =	simm.s32 $0x20;
	v8 =	vld [tilespmem:s15+$0x6A80]  }
.LBB2_25:
0x170: {  	s18 =	sand.u32 $0x70, s17;
	s16 =	sadd.s32 $0x80, s16;
	v9 =	vadd.f32 v10, v9;
	v10 =	vmul.f32 v11, v5;
	p0 =	sne.s32 s17, $0x3F0  }
.Ltmp11:
0x171: {  	s17 =	sadd.s32 $0x10, s17;
	s19 =	sand.u32 $0x1C00, s16;
	(pc) =	sbr.rel @p0 .LBB2_25-.Ltmp11, $4  }
0x172: {  	s18 =	sor.u32 s19, s18;
	v11 =	vmul.f32 v7, v3;
	v12 =	vadd.f32 v10, v9;
	v13 =	vmov v7  }
0x173: {  	v7 =	vld [tilespmem:s18+$0x2A80]  }
0x174: {  	v9 =	vadd.f32 v11, v4;
	v10 =	vmul.f32 v8, v6;
	v11 =	vmul.f32 v8, v13;
	[tilespmem:s14+$0xAA80] =	vst v12;
	s14 =	smov.u32 s15;
	s15 =	smov.u32 s18  }
0x175: {  	v8 =	vld [tilespmem:s15+$0x6A80]  }
0x176: {  	_ =	sdelay $0x1  }
0x177: {  	v3 =	vmul.f32 v7, v3;
	_ =	sdelay $0x1  }
0x178: {  	v3 =	vadd.f32 v3, v4;
	v4 =	vmul.f32 v8, v6;
	v6 =	vmul.f32 v8, v7  }
0x179: {  	v7 =	vadd.f32 v10, v9;
	v8 =	vmul.f32 v11, v5  }
0x17a: {  	v3 =	vadd.f32 v4, v3;
	v4 =	vmul.f32 v6, v5  }
0x17b: {  	v5 =	vadd.f32 v8, v7  }
0x17c: {  	v3 =	vadd.f32 v4, v3  }
0x17d: {  	[tilespmem:s14+$0xAA80] =	vst v5  }
0x17e: {  	s17 =	simm.s32 $0x0;
	[tilespmem:s15+$0xAA80] =	vst v3  }
0x17f: {  	s18 =	sand.u32 $0x70, s17;
	s14 =	sand.u32 $0x1C00, s17;
	v5 =	vld [tilespmem:$0x700]  }
0x180: {  	s14 =	sor.u32 s14, s18  }
0x181: {  	v8 =	vld [tilespmem:s14+$0x2B00];
	_ =	sdelay $0x1  }
0x182: {  	v11 =	vld [tilespmem:s14+$0x6B00]  }
0x183: {  	s19 =	simm.s32 $0x10;
	s16 =	simm.s32 $0x80;
	v3 =	vbroadcast v5, $0x1  }
0x184: {  	s17 =	sand.u32 $0x1C00, s16;
	s15 =	sand.u32 $0x70, s19;
	v4 =	vbroadcast v5, $0x0  }
0x185: {  	s15 =	sor.u32 s17, s15;
	v6 =	vbroadcast v5, $0x2;
	v9 =	vmul.f32 v8, v3  }
0x186: {  	v7 =	vld [tilespmem:s15+$0x2B00];
	v5 =	vbroadcast v5, $0x3  }
0x187: {  	v10 =	vmul.f32 v11, v6;
	v11 =	vmul.f32 v11, v8;
	v9 =	vadd.f32 v9, v4  }
0x188: {  	s17 =	simm.s32 $0x20;
	v8 =	vld [tilespmem:s15+$0x6B00]  }
.LBB2_27:
0x189: {  	s18 =	sand.u32 $0x70, s17;
	s16 =	sadd.s32 $0x80, s16;
	v9 =	vadd.f32 v10, v9;
	v10 =	vmul.f32 v11, v5;
	p0 =	sne.s32 s17, $0x3F0  }
.Ltmp12:
0x18a: {  	s17 =	sadd.s32 $0x10, s17;
	s19 =	sand.u32 $0x1C00, s16;
	(pc) =	sbr.rel @p0 .LBB2_27-.Ltmp12, $4  }
0x18b: {  	s18 =	sor.u32 s19, s18;
	v11 =	vmul.f32 v7, v3;
	v12 =	vadd.f32 v10, v9;
	v13 =	vmov v7  }
0x18c: {  	v7 =	vld [tilespmem:s18+$0x2B00]  }
0x18d: {  	v9 =	vadd.f32 v11, v4;
	v10 =	vmul.f32 v8, v6;
	v11 =	vmul.f32 v8, v13;
	[tilespmem:s14+$0xAB00] =	vst v12;
	s14 =	smov.u32 s15;
	s15 =	smov.u32 s18  }
0x18e: {  	v8 =	vld [tilespmem:s15+$0x6B00]  }
0x18f: {  	_ =	sdelay $0x1  }
0x190: {  	v3 =	vmul.f32 v7, v3;
	_ =	sdelay $0x1  }
0x191: {  	v3 =	vadd.f32 v3, v4;
	v4 =	vmul.f32 v8, v6;
	v6 =	vmul.f32 v8, v7  }
0x192: {  	v7 =	vadd.f32 v10, v9;
	v8 =	vmul.f32 v11, v5  }
0x193: {  	v3 =	vadd.f32 v4, v3;
	v4 =	vmul.f32 v6, v5  }
0x194: {  	v5 =	vadd.f32 v8, v7  }
0x195: {  	v3 =	vadd.f32 v4, v3  }
0x196: {  	[tilespmem:s14+$0xAB00] =	vst v5  }
0x197: {  	s17 =	simm.s32 $0x0;
	[tilespmem:s15+$0xAB00] =	vst v3  }
0x198: {  	s18 =	sand.u32 $0x70, s17;
	s14 =	sand.u32 $0x1C00, s17;
	v5 =	vld [tilespmem:$0x780]  }
0x199: {  	s14 =	sor.u32 s14, s18  }
0x19a: {  	v8 =	vld [tilespmem:s14+$0x2B80];
	_ =	sdelay $0x1  }
0x19b: {  	v11 =	vld [tilespmem:s14+$0x6B80]  }
0x19c: {  	s19 =	simm.s32 $0x10;
	s16 =	simm.s32 $0x80;
	v3 =	vbroadcast v5, $0x1  }
0x19d: {  	s17 =	sand.u32 $0x1C00, s16;
	s15 =	sand.u32 $0x70, s19;
	v4 =	vbroadcast v5, $0x0  }
0x19e: {  	s15 =	sor.u32 s17, s15;
	v6 =	vbroadcast v5, $0x2;
	v9 =	vmul.f32 v8, v3  }
0x19f: {  	v7 =	vld [tilespmem:s15+$0x2B80];
	v5 =	vbroadcast v5, $0x3  }
0x1a0: {  	v10 =	vmul.f32 v11, v6;
	v11 =	vmul.f32 v11, v8;
	v9 =	vadd.f32 v9, v4  }
0x1a1: {  	s17 =	simm.s32 $0x20;
	v8 =	vld [tilespmem:s15+$0x6B80]  }
.LBB2_29:
0x1a2: {  	s18 =	sand.u32 $0x70, s17;
	s16 =	sadd.s32 $0x80, s16;
	v9 =	vadd.f32 v10, v9;
	v10 =	vmul.f32 v11, v5;
	p0 =	sne.s32 s17, $0x3F0  }
.Ltmp13:
0x1a3: {  	s17 =	sadd.s32 $0x10, s17;
	s19 =	sand.u32 $0x1C00, s16;
	(pc) =	sbr.rel @p0 .LBB2_29-.Ltmp13, $4  }
0x1a4: {  	s18 =	sor.u32 s19, s18;
	v11 =	vmul.f32 v7, v3;
	v12 =	vadd.f32 v10, v9;
	v13 =	vmov v7  }
0x1a5: {  	v7 =	vld [tilespmem:s18+$0x2B80]  }
0x1a6: {  	v9 =	vadd.f32 v11, v4;
	v10 =	vmul.f32 v8, v6;
	v11 =	vmul.f32 v8, v13;
	[tilespmem:s14+$0xAB80] =	vst v12;
	s14 =	smov.u32 s15;
	s15 =	smov.u32 s18  }
0x1a7: {  	v8 =	vld [tilespmem:s15+$0x6B80]  }
0x1a8: {  	_ =	sdelay $0x1  }
0x1a9: {  	v3 =	vmul.f32 v7, v3;
	_ =	sdelay $0x1  }
0x1aa: {  	v3 =	vadd.f32 v3, v4;
	v4 =	vmul.f32 v8, v6;
	v6 =	vmul.f32 v8, v7  }
0x1ab: {  	v7 =	vadd.f32 v10, v9;
	v8 =	vmul.f32 v11, v5  }
0x1ac: {  	v3 =	vadd.f32 v4, v3;
	v4 =	vmul.f32 v6, v5  }
0x1ad: {  	v5 =	vadd.f32 v8, v7  }
0x1ae: {  	v3 =	vadd.f32 v4, v3  }
0x1af: {  	[tilespmem:s14+$0xAB80] =	vst v5  }
0x1b0: {  	s17 =	simm.s32 $0x0;
	[tilespmem:s15+$0xAB80] =	vst v3  }
0x1b1: {  	s18 =	sand.u32 $0x70, s17;
	s14 =	sand.u32 $0x1C00, s17;
	v5 =	vld [tilespmem:$0x800]  }
0x1b2: {  	s14 =	sor.u32 s14, s18  }
0x1b3: {  	v8 =	vld [tilespmem:s14+$0x2C00];
	_ =	sdelay $0x1  }
0x1b4: {  	v11 =	vld [tilespmem:s14+$0x6C00]  }
0x1b5: {  	s19 =	simm.s32 $0x10;
	s16 =	simm.s32 $0x80;
	v3 =	vbroadcast v5, $0x1  }
0x1b6: {  	s17 =	sand.u32 $0x1C00, s16;
	s15 =	sand.u32 $0x70, s19;
	v4 =	vbroadcast v5, $0x0  }
0x1b7: {  	s15 =	sor.u32 s17, s15;
	v6 =	vbroadcast v5, $0x2;
	v9 =	vmul.f32 v8, v3  }
0x1b8: {  	v7 =	vld [tilespmem:s15+$0x2C00];
	v5 =	vbroadcast v5, $0x3  }
0x1b9: {  	v10 =	vmul.f32 v11, v6;
	v11 =	vmul.f32 v11, v8;
	v9 =	vadd.f32 v9, v4  }
0x1ba: {  	s17 =	simm.s32 $0x20;
	v8 =	vld [tilespmem:s15+$0x6C00]  }
.LBB2_31:
0x1bb: {  	s18 =	sand.u32 $0x70, s17;
	s16 =	sadd.s32 $0x80, s16;
	v9 =	vadd.f32 v10, v9;
	v10 =	vmul.f32 v11, v5;
	p0 =	sne.s32 s17, $0x3F0  }
.Ltmp14:
0x1bc: {  	s17 =	sadd.s32 $0x10, s17;
	s19 =	sand.u32 $0x1C00, s16;
	(pc) =	sbr.rel @p0 .LBB2_31-.Ltmp14, $4  }
0x1bd: {  	s18 =	sor.u32 s19, s18;
	v11 =	vmul.f32 v7, v3;
	v12 =	vadd.f32 v10, v9;
	v13 =	vmov v7  }
0x1be: {  	v7 =	vld [tilespmem:s18+$0x2C00]  }
0x1bf: {  	v9 =	vadd.f32 v11, v4;
	v10 =	vmul.f32 v8, v6;
	v11 =	vmul.f32 v8, v13;
	[tilespmem:s14+$0xAC00] =	vst v12;
	s14 =	smov.u32 s15;
	s15 =	smov.u32 s18  }
0x1c0: {  	v8 =	vld [tilespmem:s15+$0x6C00]  }
0x1c1: {  	_ =	sdelay $0x1  }
0x1c2: {  	v3 =	vmul.f32 v7, v3;
	_ =	sdelay $0x1  }
0x1c3: {  	v3 =	vadd.f32 v3, v4;
	v4 =	vmul.f32 v8, v6;
	v6 =	vmul.f32 v8, v7  }
0x1c4: {  	v7 =	vadd.f32 v10, v9;
	v8 =	vmul.f32 v11, v5  }
0x1c5: {  	v3 =	vadd.f32 v4, v3;
	v4 =	vmul.f32 v6, v5  }
0x1c6: {  	v5 =	vadd.f32 v8, v7  }
0x1c7: {  	v3 =	vadd.f32 v4, v3  }
0x1c8: {  	[tilespmem:s14+$0xAC00] =	vst v5  }
0x1c9: {  	s18 =	simm.s32 $0x0;
	[tilespmem:s15+$0xAC00] =	vst v3  }
0x1ca: {  	s14 =	sor.u32 s18, s18;
	v6 =	vld [tilespmem:$0x880]  }
0x1cb: {  	s14 =	sor.u32 $0x2380, s14  }
0x1cc: {  	v7 =	vld [tilespmem:s14+$0x900]  }
0x1cd: {  	v8 =	vld [tilespmem:s14+$0x4900];
	_ =	sdelay $0x1  }
0x1ce: {  	s19 =	simm.s32 $0x10;
	s16 =	simm.s32 $0x80;
	v3 =	vbroadcast v6, $0x1  }
0x1cf: {  	s15 =	sor.u32 s16, s19;
	v4 =	vbroadcast v6, $0x0  }
0x1d0: {  	s15 =	sor.u32 $0x2380, s15;
	v5 =	vbroadcast v6, $0x2;
	v9 =	vmul.f32 v7, v3  }
0x1d1: {  	v11 =	vmul.f32 v8, v7;
	v7 =	vld [tilespmem:s15+$0x900]  }
0x1d2: {  	v6 =	vbroadcast v6, $0x3;
	v10 =	vmul.f32 v8, v5;
	v9 =	vadd.f32 v9, v4  }
0x1d3: {  	v8 =	vld [tilespmem:s15+$0x4900]  }
0x1d4: {  	s17 =	simm.s32 $0x100;
	s16 =	simm.s32 $0x20;
	v9 =	vadd.f32 v10, v9;
	v10 =	vmul.f32 v11, v6  }
.LBB2_33:
0x1d5: {  	s18 =	sor.u32 s17, s16;
	p0 =	sne.s32 s16, $0x3F0;
	s16 =	sadd.s32 $0x10, s16  }
.Ltmp15:
0x1d6: {  	s18 =	sor.u32 $0x2380, s18;
	v11 =	vmul.f32 v7, v3;
	v9 =	vadd.f32 v10, v9;
	v10 =	vmov v7;
	(pc) =	sbr.rel @p0 .LBB2_33-.Ltmp15, $4  }
0x1d7: {  	v7 =	vld [tilespmem:s18+$0x900]  }
0x1d8: {  	v11 =	vadd.f32 v11, v4;
	v12 =	vmul.f32 v8, v5;
	v10 =	vmul.f32 v8, v10;
	[tilespmem:s14+$0x8900] =	vst v9;
	s14 =	smov.u32 s15;
	s15 =	smov.u32 s18  }
0x1d9: {  	v8 =	vld [tilespmem:s15+$0x4900]  }
0x1da: {  	s17 =	sadd.s32 $0x80, s17;
	v9 =	vadd.f32 v12, v11;
	v10 =	vmul.f32 v10, v6  }
0x1db: {  	_ = 	snop  }
0x1dc: {  	v3 =	vmul.f32 v7, v3;
	_ =	sdelay $0x1  }
0x1dd: {  	v3 =	vadd.f32 v3, v4;
	v60 =	vmul.f32 v8, v5;
	v61 =	vmul.f32 v8, v7;
	_ =	sdelay $0x1  }
0x1de: {  	v3 =	vadd.f32 v60, v3;
	v62 =	vmul.f32 v61, v6  }
0x1df: {  	v63 =	vadd.f32 v10, v9  }
0x1e0: {  	s3 =	sadd.s32 $0x1, s3;
	v3 =	vadd.f32 v62, v3  }
0x1e1: {  	s4 =	sshll.u32 s4, $0x7;
	p0 =	sne.s32 s3, $0x20;
	[tilespmem:s14+$0x8900] =	vst v63  }
.Ltmp16:
0x1e2: {  	s19 =	simm.s32 $0x0;
	s4 =	sadd.s32 s7, s4;
	[tilespmem:s15+$0x8900] =	vst v3;
	(pc) =	sbr.rel @p0 .LBB2_2-.Ltmp16, $4  }
0x1e3: {  	[hbm4b:s4+s19] =	stream.linear.scatter [tilespmem:s2], [sflag:$0x3], $0x4000, $0x38;
	[tilespmem:$0xC900] =	vst v63  }
0x1e4: {  	_ =	swait.ge [sflag:s13], $0x4000  }
0x1e5: {  	[sflag:s13] =	ssyncset.done $0x0  }
0x1e6: {  	[sflag:s13] =	ssyncadd.s32 $0xFFFFC000  }
0x1e7: {  	s4 =	rddreg [dreg:$0x6]  }
0x1e8: {  	s3 =	rddreg [dreg:$0x5];
	s4 =	sadd.s32 $0x1, s4  }
0x1e9: {  	p0 =	sne.s32 s4, s3  }
.Ltmp17:
0x1ea: {  	_ = 	snop;
	(pc) =	sbr.rel @p0 .LBB2_1-.Ltmp17, $1  }
0x1eb: {  	_ =	sdelay $0x3  }
0x1ec: {  	_ =	sfence.sel $0x180000  }
0x1ed: {  	[bflag:$0x0] =	sbarrier.arrive $0xFFFF  }
0x1ee: {  	_ =	strace $0x90000047  }
0x1ef: {  	s0 =	stileid.u32;
	[bflag:$0x2] =	sbarrier.arrive $0xFFFF  }
0x1f0: {  	p0 =	sne.s32 s0, $0x0;
	s0 =	rddreg [dreg:$0x4]  }
0x1f1: {  	s0 =	sadd.s32 @!p0 $0x100000, s0  }
0x1f2: {  	[sflag:s0] =	ssyncadd.tile.s32 @!p0 $0x1;
	_ =	shalt  }
.Lfunc_end2:
_tile_overlayer_lowered:
.L_overlay_start_2:
0x1f3: {  	(tag) =	ssettag $0x2  }
0x1f4: {  	s0 =	rddreg [dreg:$0x0];
	s2 =	stileid.u32  }
0x1f5: {  	s1 =	rddreg [dreg:$0x1];
	p0 =	sne.s32 s2, $0x0  }
0x1f6: {  	s3 =	rddreg [dreg:$0x2];
	[bflag:$0x3] =	sbarrier.arrive $0xFFFF;
	s2 =	simm.s32 @!p0 $0x1C03  }
0x1f7: {  	[timem:s3], [sflag:s2] =	dma.local @!p0 [hbm:s0], s1  }
0x1f8: {  	s0 =	simm.s32 @!p0 $0x3  }
0x1f9: {  	_ =	swait.ge @!p0 [sflag:s0], s1  }
0x1fa: {  	s1 =	ssub.s32 @!p0 $0x0, s1;
	[sflag:s0] =	ssyncset.done @!p0 $0x0  }
0x1fb: {  	[sflag:s0] =	ssyncadd.s32 @!p0 s1  }
0x1fc: {  	[bflag:$0x3] =	sbarrier.arrive $0xFFFF  }
0x1fd: {  	_ =	shalt  }

// kernel: sparse-core-data-format-call.cloned.1.call-start
scs
called_computation_lowered:
.L_overlay_start_0:
0x0: {  	s2 =	sld [smem:$0x3FD9]  }
0x1: {  	s3 =	sld [smem:$0x3FFE];
	_ =	sdelay $0x1  }
0x2: {  	s1 =	srdreg.scid  }
0x3: {  	s0 =	sand.u32 $0x1, s1  }
0x4: {  	s18 =	sshll.u32 s0, $0xA;
	s2 =	sadd.s32 s3, s2  }
0x5: {  	s2 =	sadd.s32 s2, s18  }
0x6: {  	[smem:$0x3FC4] =	sst s2  }
0x7: {  	_ = 	snop  }
0x8: {  	s2 =	sld [smem:$0x3FD0];
	(tm) =	ssettm $0x1  }
0x9: {  	s19 =	sld [smem:$0x3FFB];
	_ =	sdelay $0x3  }
0xa: {  	_ =	strace s19  }
0xb: {  	s3 =	sld [smem:$0x3FFC];
	_ =	sdelay $0x3  }
0xc: {  	_ =	strace s3  }
0xd: {  	s3 =	sld [smem:$0x3FFD];
	_ =	sdelay $0x3  }
0xe: {  	_ =	strace s3  }
0xf: {  	_ =	strace $0x8FFFFFFF  }
0x10: {  	s20 =	sld [smem:$0x3FDB];
	_ =	sdelay $0x1  }
0x11: {  	s4 =	simm.s32 $_scs_section_size  }
0x12: {  	s5 =	simm.s32 $_size__tile_overlayer_lowered;
	s6 =	simm.s32 $_tile_overlayer_lowered  }
0x13: {  	s23 =	simm.s32 $0x1BFF;
	s22 =	sshll.u32 s6, $0x1;
	s3 =	sadd.s32 s4, s20  }
0x14: {  	s7 =	simm.s32 $0x0;
	s21 =	sshll.u32 s5, $0x1;
	s5 =	sadd.s32 s22, s3  }
0x15: {  	[timem:s7], [sflag:s23] =	dma.local [hbm:s5], s21  }
0x16: {  	_ =	swait.ge [sflag:s23], s21  }
0x17: {  	s4 =	ssub.s32 $0x0, s21;
	[sflag:s23] =	ssyncset.done $0x0  }
0x18: {  	[sflag:s23] =	ssyncadd.s32 s4;
	_ =	sdelay $0x1  }
0x19: {  	s24 =	simm.s32 $0x1B8B  }
0x1a: {  	_ =	swait.ge [sflag:s24], $0x1  }
0x1b: {  	[sflag:s24] =	ssyncset.done $0x0  }
0x1c: {  	s26 =	simm.s32 $0x1B8E;
	s25 =	sld [smem:$0x3FFE];
	[sflag:s24] =	ssyncadd.s32 $0xFFFFFFFF  }
0x1d: {  	s27 =	simm.s32 $execute0_lowered;
	[smem:$0x3FD2] =	sst s26  }
0x1e: {  	s5 =	sshll.u32 s27, $0x1;
	_ =	strace $0x80000049;
	[dreg:$0x1] =	wrdreg $0xFFFFFFFF  }
0x1f: {  	s28 =	simm.s32 $_size_execute0_lowered;
	s3 =	sadd.s32 s3, s5;
	[dreg:$0x0] =	wrdreg $0x0  }
0x20: {  	s5 =	sshll.u32 s28, $0x1;
	[dreg:$0x2] =	wrdreg s3  }
0x21: {  	[dreg:$0x3] =	wrdreg s5  }
0x22: {  	[dreg:$0x4] =	wrdreg $0xC0  }
0x23: {  	_ =	task [dreg:s7], $0x5FFFF  }
0x24: {  	[dreg:$0x1] =	wrdreg $0xFFFFFFFF  }
0x25: {  	[dreg:$0x0] =	wrdreg $0x60  }
0x26: {  	[dreg:$0x2] =	wrdreg s25  }
0x27: {  	[dreg:$0x3] =	wrdreg s2  }
0x28: {  	[dreg:$0x4] =	wrdreg $0x9  }
0x29: {  	_ =	task.clear_ibuf [dreg:s7], $0x5FFFF;
	_ =	strace $0x90000049  }
0x2a: {  	s29 =	simm.s32 $0x9;
	_ =	strace $0x8000004B  }
0x2b: {  	_ =	swait.ge [sflag:s29], $0x1  }
0x2c: {  	[sflag:s29] =	ssyncadd.s32 $0xFFFFFFFF  }
0x2d: {  	_ =	strace $0x9000004B  }
0x2e: {  	_ =	sfence  }
0x2f: {  	s30 =	sld [smem:$0x0];
	_ =	sdelay $0x2  }
0x30: {  	s31 =	sshll.u32 s1, $0xD;
	s1 =	sshrl.u32 s1, $0x2  }
0x31: {  	s3 =	sand.u32 $0x4000, s31;
	s1 =	sadd.s32 s1, s30  }
0x32: {  	s0 =	sor.u32 s3, s0;
	s1 =	sshll.u32 s1, $0x11  }
0x33: {  	s0 =	sor.u32 s1, s0  }
0x34: {  	s0 =	sadd.s32 $0x8F2B, s0  }
0x35: {  	[sflag:s0] =	ssyncadd.remote.s32 $0x1  }
0x36: {  	_ =	sfence.sel $0xFFFF  }
0x37: {  	[dreg:$0x0] =	wrdreg $0xFFFFFFFF;
	(pc) =	sbr.abs _section_cstart, $3  }
0x38: {  	[dreg:$0x1] =	wrdreg $0xFFFFFFFF  }
0x39: {  	_ =	task.clear_ibuf [dreg:s7], $0x2FFFF;
	_ =	strace $0x9FFFFFFF  }
0x3a: {  	(tm) =	ssettm $0x7FFFFFFF  }
0x3b: {  	_ =	shalt  }
tec
execute0_lowered:
.L_overlay_start_1:
0x0: {  	(tag) =	ssettag $0x1  }
0x1: {  	s0 =	srdreg.scid  }
0x2: {  	s1 =	sshll.u32 s0, $0x4  }
0x3: {  	s6 =	rddreg [dreg:$0x0];
	s0 =	stileid.u32;
	s1 =	sand.u32 $0x10, s1  }
0x4: {  	s3 =	rddreg [dreg:$0x1];
	s5 =	simm.s32 $0x1;
	s1 =	sor.u32 s0, s1  }
0x5: {  	s31 =	simm.s32 $0x2;
	s13 =	simm.s32 $0x0;
	s2 =	sshll.u32 s1, $0x7  }
0x6: {  	s8 =	simm.s32 $0x20000;
	s12 =	simm.s32 $0x0;
	s4 =	ssub.s32 $0x4000, s2  }
0x7: {  	s9 =	simm.s32 $0x0;
	s11 =	simm.s32 $0x0;
	s30 =	sand.u32 $0xF80, s4  }
.Ltmp0:
0x8: {  	s6 =	sadd.s32 $0x40C00, s6;
	p0 =	sne.s32 s30, $0x0;
	(pc) =	sbr.rel .LBB1_1-.Ltmp0, $4  }
0x9: {  	s1 =	rddreg [dreg:$0x2];
	s7 =	sshrl.u32 s4, $0xC;
	s5 =	simm.s32 @!p0 $0x0  }
0xa: {  	_ =	strace $0x8000004A;
	s4 =	simm.s32 $0x1;
	s5 =	sadd.s32 s5, s7  }
0xb: {  	s10 =	smov.u32 s2;
	[sflag:s4] =	ssyncpa.u1 $0x0;
	s5 =	sshll.u32 s5, $0x3  }
0xc: {  	[sflag:s31] =	ssyncpa.u1 $0x0;
	p0 =	por $0x0, $0x0;
	s7 =	sor.u32 $0x1, s5  }
.LBB1_4:
0xd: {  	v5 =	vld [tilespmem:s16+$0xFFFFFFD0]  }
0xe: {  	[tilespmem:s17+$0x2040 ss:$0x81] =	vst.msk $0xffff, v1;
	v58 =	vld [tilespmem:s16+$0xFFFFFFE0]  }
0xf: {  	[tilespmem:s17+$0x2850 ss:$0x81] =	vst.msk $0xffff, v2;
	v59 =	vld [tilespmem:s16+$0xFFFFFFF0]  }
0x10: {  	s18 =	sshra.s32 s18, $0x2;
	[tilespmem:s17+$0x3060 ss:$0x81] =	vst.msk $0xffff, v3;
	v60 =	vld [tilespmem:s16+$0x0]  }
0x11: {  	[tilespmem:s17+$0x0 ss:$0x81] =	vst.msk $0xffff, v0;
	v61 =	vld [tilespmem:s16+$0x10];
	s15 =	sadd.s32 s18, s15  }
0x12: {  	s26 =	sshll.u32 s13, $0xE;
	v62 =	vld [tilespmem:s16+$0x20];
	[tilespmem:s15+$0x3870 ss:$0x81] =	vst.msk $0xffff, v4  }
0x13: {  	s27 =	sand.u32 $0x78, s12;
	s19 =	sshll.u32 s12, $0x3;
	v63 =	vld [tilespmem:s16+$0xFFFFFFC0];
	s29 =	sshll.u32 s13, $0x7;
	[tilespmem:s15+$0x810 ss:$0x81] =	vst.msk $0xffff, v5  }
0x14: {  	s17 =	sand.u32 $0xFE0000, s26;
	s28 =	sand.u32 $0xFFFC00, s19;
	s19 =	sand.u32 $0x3C00, s19;
	[tilespmem:s15+$0x1020 ss:$0x81] =	vst.msk $0xffff, v58  }
0x15: {  	s13 =	sand.u32 $0x380, s29;
	s16 =	sadd.s32 s28, s17;
	s30 =	sor.u32 s27, s19;
	[tilespmem:s15+$0x1830 ss:$0x81] =	vst.msk $0xffff, v59  }
0x16: {  	s16 =	sand.u32 $0xFFC000, s16;
	s13 =	sor.u32 s13, s30;
	[tilespmem:s15+$0x2040 ss:$0x81] =	vst.msk $0xffff, v60  }
0x17: {  	s31 =	sand.u32 $0x7, s12;
	s13 =	sor.u32 s16, s13;
	[tilespmem:s15+$0x2850 ss:$0x81] =	vst.msk $0xffff, v61  }
0x18: {  	s12 =	sshll.u32 s31, $0x12;
	[tilespmem:s15+$0x3060 ss:$0x81] =	vst.msk $0xffff, v62;
	s13 =	sshrl.u32 s13, $0x3  }
0x19: {  	s12 =	sor.u32 $0x400, s12;
	[tilespmem:s15+$0x0 ss:$0x81] =	vst.msk $0xffff, v63;
	s13 =	sadd.s32 s3, s13  }
0x1a: {  	[hbm4b:s13+s12] =	stream.strided.scatter [tilespmem:s14], [sflag:$0x2], $0x4000, s8, s12, $0x20;
	[tilespmem:$0x10100] =	vst v63  }
.LBB1_5:
0x1b: {  	s14 =	sadd.s32 $0x80, s9  }
0x1c: {  	s12 =	sadd.s32 $0x1000, s10;
	s16 =	smov.u32 s10;
	p2 =	sgt.s32 s14, $0x3FF  }
0x1d: {  	s16 =	smov.u32 @p2 s12  }
0x1e: {  	s14 =	simm.s32 @p2 $0x0;
	p2 =	sgt.s32 s16, $0x3FFF  }
0x1f: {  	s16 =	smov.u32 @p2 s2;
	p2 =	sne.s32 s11, s7  }
.Ltmp1:
0x20: {  	p1 =	slt.u32 s11, $0x2;
	(pc) =	sbr.rel @!p2 .LBB1_6-.Ltmp1, $4  }
0x21: {  	s15 =	simm.s32 @!p1 $0x2  }
0x22: {  	s13 =	smov.u32 s9;
	p0 =	por !p0, !p0;
	_ =	swait.ge @!p1 [sflag:s15], $0x4000  }
0x23: {  	s12 =	smov.u32 s10;
	[sflag:s15] =	ssyncset.done @!p1 $0x0;
	s9 =	smov.u32 s14  }
0x24: {  	s11 =	sadd.s32 $0x1, s11;
	[sflag:s15] =	ssyncadd.s32 @!p1 $0xFFFFC000;
	s10 =	smov.u32 s16  }
.LBB1_1:
0x25: {  	p1 =	sge.u32 s11, s5  }
0x26: {  	s31 =	sadd.s32 $0xFFFFFFFF, s11;
	s14 =	sshll.u32 @!p1 s10, $0xA  }
0x27: {  	s15 =	sshll.u32 @!p1 s9, $0x3;
	s16 =	sshll.u32 @!p1 s10, $0x7;
	s14 =	sand.u32 @!p1 $0xFFE000, s14  }
0x28: {  	s17 =	sand.u32 @!p1 $0x78, s9;
	s14 =	sadd.s32 @!p1 s14, s15;
	s15 =	sand.u32 @!p1 $0x380, s16  }
0x29: {  	s16 =	sxor.u32 @!p1 $0xFFFFFFFF, s11;
	s14 =	sand.u32 @!p1 $0xFFFC00, s14;
	s15 =	sor.u32 @!p1 s15, s17  }
0x2a: {  	s16 =	sshll.u32 @!p1 s16, $0xE;
	s14 =	sor.u32 @!p1 s14, s15;
	s15 =	sand.u32 @!p1 $0x7, s9  }
0x2b: {  	s17 =	simm.s32 @!p1 $0x2000;
	s14 =	sshrl.u32 @!p1 s14, $0x3;
	s15 =	sshll.u32 @!p1 s15, $0x12  }
0x2c: {  	s16 =	sand.u32 @!p1 $0x4000, s16;
	s14 =	sadd.s32 @!p1 s6, s14;
	s15 =	sor.u32 @!p1 $0x400, s15  }
0x2d: {  	[tilespmem:s16], [sflag:$0x1] =	stream.strided.gather @!p1 [hbm4b:s14+s15], $0x4000, s17, s15, $0x38;
	[tilespmem:$0x10100] =	vst v63  }
0x2e: {  	p1 =	sge.u32 s31, s5  }
.Ltmp2:
0x2f: {  	_ = 	snop;
	(pc) =	sbr.rel @p1 .LBB1_5-.Ltmp2, $1  }
0x30: {  	_ =	sdelay $0x3  }
0x31: {  	s14 =	simm.s32 $0x1  }
0x32: {  	_ =	swait.ge [sflag:s4], $0x4000;
	s14 =	simm.s32 @!p0 $0x0  }
0x33: {  	[sflag:s4] =	ssyncset.done $0x0;
	s15 =	sshll.u32 s14, $0xE  }
0x34: {  	[sflag:s4] =	ssyncadd.s32 $0xFFFFC000;
	s16 =	sor.u32 $0x40, s15  }
0x35: {  	s14 =	smul.u32 $0x10200, s14;
	v0 =	vld [tilespmem:s16+$0x30]  }
0x36: {  	v3 =	vld [tilespmem:s16+$0xFFFFFFD0]  }
0x37: {  	s14 =	sshrl.u32 s14, $0x2;
	v4 =	vld [tilespmem:s16+$0xFFFFFFE0]  }
0x38: {  	v5 =	vld [tilespmem:s16+$0xFFFFFFF0];
	s15 =	sor.u32 $0x8000, s14  }
0x39: {  	s31 =	sand.u32 $0x1, s11;
	v1 =	vld [tilespmem:s16+$0x0];
	s17 =	sadd.s32 $0x0, s15  }
0x3a: {  	v2 =	vld [tilespmem:s16+$0x10];
	s14 =	smul.u32 $0x10200, s31;
	[tilespmem:s17+$0x3870 ss:$0x81] =	vst.msk $0xffff, v0  }
0x3b: {  	[tilespmem:s17+$0x810 ss:$0x81] =	vst.msk $0xffff, v3;
	v3 =	vld [tilespmem:s16+$0x20]  }
0x3c: {  	s14 =	sshrl.u32 s14, $0x2;
	v0 =	vld [tilespmem:s16+$0xFFFFFFC0];
	[tilespmem:s17+$0x1020 ss:$0x81] =	vst.msk $0xffff, v4;
	s16 =	sadd.s32 $0x80, s16  }
0x3d: {  	s18 =	simm.s32 $0x4;
	s19 =	simm.s32 $0x8;
	s14 =	sor.u32 $0x8000, s14;
	[tilespmem:s17+$0x1830 ss:$0x81] =	vst.msk $0xffff, v5;
	v4 =	vld [tilespmem:s16+$0x30]  }
.LBB1_3:
0x3e: {  	p1 =	sne.s32 s19, $0x1FC;
	v5 =	vld [tilespmem:s16+$0xFFFFFFD0];
	[tilespmem:s17+$0x2040 ss:$0x81] =	vst.msk $0xffff, v1  }
0x3f: {  	v6 =	vld [tilespmem:s16+$0xFFFFFFE0];
	[tilespmem:s17+$0x2850 ss:$0x81] =	vst.msk $0xffff, v2  }
0x40: {  	s20 =	sshra.s32 s18, $0x2;
	s18 =	smov.u32 s19;
	v7 =	vld [tilespmem:s16+$0xFFFFFFF0];
	[tilespmem:s17+$0x3060 ss:$0x81] =	vst.msk $0xffff, v3  }
.Ltmp3:
0x41: {  	v1 =	vld [tilespmem:s16+$0x0];
	[tilespmem:s17+$0x0 ss:$0x81] =	vst.msk $0xffff, v0;
	s17 =	sadd.s32 s20, s15;
	(pc) =	sbr.rel @p1 .LBB1_3-.Ltmp3, $4  }
0x42: {  	v2 =	vld [tilespmem:s16+$0x10];
	[tilespmem:s17+$0x3870 ss:$0x81] =	vst.msk $0xffff, v4  }
0x43: {  	[tilespmem:s17+$0x810 ss:$0x81] =	vst.msk $0xffff, v5;
	v3 =	vld [tilespmem:s16+$0x20]  }
0x44: {  	v0 =	vld [tilespmem:s16+$0xFFFFFFC0];
	[tilespmem:s17+$0x1020 ss:$0x81] =	vst.msk $0xffff, v6;
	s16 =	sadd.s32 $0x80, s16  }
0x45: {  	s19 =	sadd.s32 $0x4, s19;
	v4 =	vld [tilespmem:s16+$0x30];
	[tilespmem:s17+$0x1830 ss:$0x81] =	vst.msk $0xffff, v7  }
.Ltmp4:
0x46: {  	_ = 	snop;
	(pc) =	sbr.rel .LBB1_4-.Ltmp4, $1  }
0x47: {  	_ =	sdelay $0x3  }
.LBB1_6:
0x48: {  	_ =	sfence.sel $0x180000  }
0x49: {  	s2 =	simm.s32 $0x1;
	[bflag:$0x0] =	sbarrier.arrive $0xFFFF  }
0x4a: {  	s31 =	simm.s32 $0x2;
	[sflag:s2] =	ssyncpa.u1 $0x1  }
0x4b: {  	[sflag:s31] =	ssyncpa.u1 $0x1  }
0x4c: {  	p0 =	sne.s32 s0, $0x0;
	_ =	strace $0x9000004A  }
0x4d: {  	s0 =	sadd.s32 @!p0 $0x100000, s1;
	[bflag:$0x2] =	sbarrier.arrive $0xFFFF  }
0x4e: {  	[sflag:s0] =	ssyncadd.tile.s32 @!p0 $0x1;
	_ =	shalt  }
.Lfunc_end1:
_tile_overlayer_lowered:
.L_overlay_start_2:
0x4f: {  	(tag) =	ssettag $0x2  }
0x50: {  	s0 =	rddreg [dreg:$0x0];
	s2 =	stileid.u32  }
0x51: {  	s1 =	rddreg [dreg:$0x1];
	p0 =	sne.s32 s2, $0x0  }
0x52: {  	s3 =	rddreg [dreg:$0x2];
	[bflag:$0x3] =	sbarrier.arrive $0xFFFF;
	s2 =	simm.s32 @!p0 $0x1C01  }
0x53: {  	[timem:s3], [sflag:s2] =	dma.local @!p0 [hbm:s0], s1  }
0x54: {  	s0 =	simm.s32 @!p0 $0x1  }
0x55: {  	_ =	swait.ge @!p0 [sflag:s0], s1  }
0x56: {  	s1 =	ssub.s32 @!p0 $0x0, s1;
	[sflag:s0] =	ssyncset.done @!p0 $0x0  }
0x57: {  	[sflag:s0] =	ssyncadd.s32 @!p0 s1  }
0x58: {  	[bflag:$0x3] =	sbarrier.arrive $0xFFFF  }
0x59: {  	_ =	shalt  }

</sc_bundles>
